<compile_context>
chip_gen: v7x
topology: tpu7x:2x2x1
jax: 0.10.2.dev20260603
libtpu: 0.0.44.dev20260713+nightly
codegen_flags: <defaults>
</compile_context>

<pallas_src>
import functools

import jax
import jax.numpy as jnp
from jax import lax
from jax.experimental import pallas as pl
from jax.experimental.pallas import tpu as pltpu
from jax.experimental.pallas import tpu_sc as plsc

N_NODES = 10000
N_EDGES = 320000
IN_CH = 128
HID_CH = 256
OUT_CH = 2

W80 = 80
CNT_COL = 48
P16 = 16
NC = 2
NS = 16
N_PAD = 10240
SROWS = N_PAD // NS
KA = 80
TA = 250

KC = 80
EPW_C = N_EDGES // (NC * NS)
TC_CH = 126


def _zero_fill(buf, rows, cols):
    def zrow(r, _):
        def zcol(c, _):
            buf[r, pl.ds(c * 16, 16)] = jnp.zeros((16,), jnp.float32)
            return 0
        return lax.fori_loop(0, cols // 16, zcol, 0)
    lax.fori_loop(0, rows, zrow, 0)


def _zero_shared_slice(buf, shared, base, bufrows):
    for t in range(SROWS // bufrows):
        pltpu.sync_copy(buf, shared.at[pl.ds(base + t * bufrows, bufrows)])


def _edge_loop(table_hbm, src_v, dst_v, shared, b0, b1, g0, g1, nch):
    pltpu.async_copy(table_hbm.at[src_v.at[0]], b0, g0)
    pltpu.async_copy(table_hbm.at[src_v.at[1]], b1, g1)

    def step(j, buf, sem):
        pltpu.make_async_copy(table_hbm.at[src_v.at[j]], buf, sem).wait()
        pltpu.sync_copy(buf, shared.at[dst_v.at[j]], add=True)
        pltpu.async_copy(table_hbm.at[src_v.at[j + 2]], buf, sem)

    def body(i, _):
        step(2 * i, b0, g0)
        step(2 * i + 1, b1, g1)
        return 0

    lax.fori_loop(0, nch // 2, body, 0)
    pltpu.make_async_copy(table_hbm.at[src_v.at[0]], b0, g0).wait()
    pltpu.make_async_copy(table_hbm.at[src_v.at[0]], b1, g1).wait()


def _sc_agg_wide(x2, src3, dst3):
    mesh = plsc.VectorSubcoreMesh(core_axis_name="c", subcore_axis_name="s")

    @functools.partial(
        pl.kernel,
        out_type=jax.ShapeDtypeStruct((NC, N_PAD, W80), jnp.float32),
        mesh=mesh,
        scratch_types=[
            pltpu.VMEM((TA + 2, KA), jnp.int32),
            pltpu.VMEM((TA, KA), jnp.int32),
            pltpu.VMEM((KA, W80), jnp.float32),
            pltpu.VMEM((KA, W80), jnp.float32),
            pltpu.VMEM_SHARED((N_PAD, W80), jnp.float32),
            pltpu.SemaphoreType.DMA,
            pltpu.SemaphoreType.DMA,
        ],
        compiler_params=pltpu.CompilerParams(use_tc_tiling_on_sc=False),
    )
    def k(x_hbm, src_hbm, dst_hbm, out_hbm, src_v, dst_v, b0, b1,
          shared, g0, g1):
        cid = lax.axis_index("c")
        sid = lax.axis_index("s")
        base = pl.multiple_of(sid * SROWS, SROWS)

        _zero_fill(b0, KA, W80)
        _zero_shared_slice(b0, shared, base, KA)
        pltpu.sync_copy(src_hbm.at[sid], src_v)
        pltpu.sync_copy(dst_hbm.at[sid], dst_v)

        off = jnp.full((16,), cid * N_PAD, jnp.int32)

        def orow(r, _):
            def ocol(c, _):
                src_v[r, pl.ds(c * 16, 16)] = (
                    src_v[r, pl.ds(c * 16, 16)] + off)
                return 0
            return lax.fori_loop(0, KA // 16, ocol, 0)
        lax.fori_loop(0, TA + 2, orow, 0)

        plsc.subcore_barrier()
        _edge_loop(x_hbm, src_v, dst_v, shared, b0, b1, g0, g1, TA)
        plsc.subcore_barrier()

        pltpu.sync_copy(shared.at[pl.ds(base, SROWS)],
                        out_hbm.at[cid, pl.ds(base, SROWS)])

    return k(x2, src3, dst3)


def _sc_agg_small(p_pad, src3, dst3):
    mesh = plsc.VectorSubcoreMesh(core_axis_name="c", subcore_axis_name="s")

    @functools.partial(
        pl.kernel,
        out_type=jax.ShapeDtypeStruct((NC, N_PAD, P16), jnp.float32),
        mesh=mesh,
        scratch_types=[
            pltpu.VMEM((TC_CH + 2, KC), jnp.int32),
            pltpu.VMEM((TC_CH, KC), jnp.int32),
            pltpu.VMEM((KC, P16), jnp.float32),
            pltpu.VMEM((KC, P16), jnp.float32),
            pltpu.VMEM_SHARED((N_PAD, P16), jnp.float32),
            pltpu.SemaphoreType.DMA,
            pltpu.SemaphoreType.DMA,
        ],
        compiler_params=pltpu.CompilerParams(use_tc_tiling_on_sc=False),
    )
    def k(p_hbm, src_hbm, dst_hbm, out_hbm, src_v, dst_v, b0, b1,
          shared, g0, g1):
        cid = lax.axis_index("c")
        sid = lax.axis_index("s")
        wid = cid * NS + sid
        base = pl.multiple_of(sid * SROWS, SROWS)

        _zero_fill(b0, KC, P16)
        _zero_shared_slice(b0, shared, base, KC)
        pltpu.sync_copy(src_hbm.at[wid], src_v)
        pltpu.sync_copy(dst_hbm.at[wid], dst_v)
        plsc.subcore_barrier()
        _edge_loop(p_hbm, src_v, dst_v, shared, b0, b1, g0, g1, TC_CH)
        plsc.subcore_barrier()

        pltpu.sync_copy(shared.at[pl.ds(base, SROWS)],
                        out_hbm.at[cid, pl.ds(base, SROWS)])

    return k(p_pad, src3, dst3)


def _tc_dense(agg2, x2, w1lT, w1rT, b1r, w2lT, w2rT, b2r):
    NB = 1024
    grid = (N_PAD // NB,)

    def body(a_ref, xlo_ref, xhi_ref, w1l_ref, w1r_ref, b1_ref, w2l_ref,
             w2r_ref, b2_ref, pout_ref, qout_ref, inv_ref):
        alo = a_ref[0]
        ahi = a_ref[1]
        cnt = ahi[:, CNT_COL:CNT_COL + 1]
        inv = 1.0 / jnp.maximum(cnt, 1.0)
        mean = jnp.concatenate([alo, ahi[:, :IN_CH - W80]], axis=1) * inv
        x_blk = jnp.concatenate(
            [xlo_ref[...], xhi_ref[...][:, :IN_CH - W80]], axis=1)
        h = (jnp.dot(mean, w1l_ref[...], preferred_element_type=jnp.float32)
             + b1_ref[...]
             + jnp.dot(x_blk, w1r_ref[...],
                       preferred_element_type=jnp.float32))
        h = jnp.maximum(h, 0.0)
        pout_ref[...] = jnp.dot(h, w2l_ref[...],
                                preferred_element_type=jnp.float32)
        qout_ref[...] = (jnp.dot(h, w2r_ref[...],
                                 preferred_element_type=jnp.float32)
                         + b2_ref[...])
        inv_ref[...] = jnp.broadcast_to(inv, (NB, P16))

    return pl.pallas_call(
        body,
        grid=grid,
        in_specs=[
            pl.BlockSpec((NC, NB, W80), lambda i: (0, i, 0)),
            pl.BlockSpec((NB, W80), lambda i: (i, 0)),
            pl.BlockSpec((NB, W80), lambda i: (i + N_PAD // NB, 0)),
            pl.BlockSpec((IN_CH, HID_CH), lambda i: (0, 0)),
            pl.BlockSpec((IN_CH, HID_CH), lambda i: (0, 0)),
            pl.BlockSpec((1, HID_CH), lambda i: (0, 0)),
            pl.BlockSpec((HID_CH, P16), lambda i: (0, 0)),
            pl.BlockSpec((HID_CH, P16), lambda i: (0, 0)),
            pl.BlockSpec((1, P16), lambda i: (0, 0)),
        ],
        out_specs=[
            pl.BlockSpec((NB, P16), lambda i: (i, 0)),
            pl.BlockSpec((NB, P16), lambda i: (i, 0)),
            pl.BlockSpec((NB, P16), lambda i: (i, 0)),
        ],
        out_shape=[
            jax.ShapeDtypeStruct((N_PAD, P16), jnp.float32),
            jax.ShapeDtypeStruct((N_PAD, P16), jnp.float32),
            jax.ShapeDtypeStruct((N_PAD, P16), jnp.float32),
        ],
    )(agg2, x2, x2, w1lT, w1rT, b1r, w2lT, w2rT, b2r)


def _tc_combine(pparts, invb, qb):
    def body(p_ref, i_ref, q_ref, o_ref):
        o_ref[...] = ((p_ref[0] + p_ref[1]) * i_ref[...]) + q_ref[...]

    return pl.pallas_call(
        body,
        out_shape=jax.ShapeDtypeStruct((N_PAD, P16), jnp.float32),
    )(pparts, invb, qb)


def kernel(x, edge_index, W1_l, b1, W1_r, W2_l, b2, W2_r):
    ei = edge_index.astype(jnp.int32)
    src, dst = ei[0], ei[1]

    x_lo = jnp.pad(x[:, :W80], ((0, N_PAD - N_NODES), (0, 0)))
    x_hi = jnp.concatenate(
        [x[:, W80:], jnp.ones((N_NODES, 1), x.dtype),
         jnp.zeros((N_NODES, W80 - CNT_COL - 1), x.dtype)], axis=1)
    x_hi = jnp.pad(x_hi, ((0, N_PAD - N_NODES), (0, 0)))
    x2 = jnp.concatenate([x_lo, x_hi], axis=0)

    def pack(nw, t, k):
        epw = N_EDGES // nw
        pad_e = t * k - epw
        s3 = jnp.pad(src.reshape(nw, epw), ((0, 0), (0, pad_e)))
        s3 = jnp.pad(s3.reshape(nw, t, k), ((0, 0), (0, 2), (0, 0)))
        dummy = jnp.broadcast_to(
            (N_NODES + 100 + jnp.arange(nw, dtype=jnp.int32))[:, None],
            (nw, pad_e))
        d3 = jnp.concatenate(
            [dst.reshape(nw, epw), dummy], axis=1).reshape(nw, t, k)
        return s3, d3

    srcA, dstA = pack(NS, TA, KA)
    srcC, dstC = pack(NC * NS, TC_CH, KC)

    w1lT = W1_l.T
    w1rT = W1_r.T
    w2lT = jnp.pad(W2_l, ((0, P16 - OUT_CH), (0, 0))).T
    w2rT = jnp.pad(W2_r, ((0, P16 - OUT_CH), (0, 0))).T
    b2r = jnp.pad(b2, (0, P16 - OUT_CH)).reshape(1, P16)
    b1r = b1.reshape(1, HID_CH)

    agg2 = _sc_agg_wide(x2, srcA, dstA)
    p_pad, qb, invb = _tc_dense(agg2, x2, w1lT, w1rT, b1r, w2lT, w2rT, b2r)
    pparts = _sc_agg_small(p_pad, srcC, dstC)
    out16 = _tc_combine(pparts, invb, qb)
    return out16[:N_NODES, :OUT_CH]

# --- scband reference (transcript-rebuilt; emitter-appended) ---
"""Pipeline reference for scband-graph-sagenet-57200374448341 (READ-ONLY COPY).

The authoritative reference and input builder live on the scoring server;
editing this copy changes nothing except your own understanding.
"""

import jax, jax.numpy as jnp
import numpy as np

N_NODES = 10000
N_EDGES = 320000
IN_CH = 128
HID_CH = 256
OUT_CH = 2


def setup_inputs(seed: int = 0) -> dict:
    key = jax.random.key(seed)
    ks = jax.random.split(key, 8)
    x = jax.random.normal(ks[0], (N_NODES, IN_CH), dtype=jnp.float32)
    edge_index = jax.random.randint(ks[1], (2, N_EDGES), 0, N_NODES, dtype=jnp.int64)
    # SAGEConv params: lin_l (applied to aggregated neighbors, with bias), lin_r (applied to root, no bias)
    s1 = 1.0 / np.sqrt(IN_CH)
    s2 = 1.0 / np.sqrt(HID_CH)
    W1_l = jax.random.uniform(ks[2], (HID_CH, IN_CH), minval=-s1, maxval=s1, dtype=jnp.float32)
    b1 = jnp.zeros((HID_CH,), dtype=jnp.float32)
    W1_r = jax.random.uniform(ks[3], (HID_CH, IN_CH), minval=-s1, maxval=s1, dtype=jnp.float32)
    W2_l = jax.random.uniform(ks[4], (OUT_CH, HID_CH), minval=-s2, maxval=s2, dtype=jnp.float32)
    b2 = jnp.zeros((OUT_CH,), dtype=jnp.float32)
    W2_r = jax.random.uniform(ks[5], (OUT_CH, HID_CH), minval=-s2, maxval=s2, dtype=jnp.float32)
    return {"x": x, "edge_index": edge_index, "W1_l": W1_l, "b1": b1, "W1_r": W1_r, "W2_l": W2_l, "b2": b2, "W2_r": W2_r}


def _sage_conv(x, edge_index, W_l, b_l, W_r, n_nodes):
    src = edge_index[0]
    dst = edge_index[1]
    msg = jnp.take(x, src, axis=0)
    agg = jax.ops.segment_sum(msg, dst, num_segments=n_nodes)
    cnt = jax.ops.segment_sum(jnp.ones((msg.shape[0], 1), dtype=x.dtype), dst, num_segments=n_nodes)
    mean = agg / jnp.maximum(cnt, 1.0)
    return mean @ W_l.T + b_l + x @ W_r.T


def reference(x, edge_index, W1_l, b1, W1_r, W2_l, b2, W2_r):
    h = _sage_conv(x, edge_index, W1_l, b1, W1_r, N_NODES)
    h = jax.nn.relu(h)
    # dropout is identity at inference (training=False)
    out = _sage_conv(h, edge_index, W2_l, b2, W2_r, N_NODES)
    return out

if __name__ == "__main__":
    import jax
    _d = setup_inputs()
    print(jax.jit(kernel)(*tuple(_d.values())))

</pallas_src>

<mosaic_0001>
#map = affine_map<(d0, d1) -> (0, 0)>
#map1 = affine_map<(d0, d1) -> (0, 0, 0)>
module attributes {stable_mosaic.version = 14 : i64} {
  func.func @k(%arg0: i32, %arg1: i32, %arg2: memref<20480x80xf32, #tpu.memory_space<hbm>>, %arg3: memref<16x252x80xi32, #tpu.memory_space<hbm>>, %arg4: memref<16x250x80xi32, #tpu.memory_space<hbm>>, %arg5: memref<2x10240x80xf32, #tpu.memory_space<hbm>>, %arg6: memref<252x80xi32, #tpu.memory_space<vmem>>, %arg7: memref<250x80xi32, #tpu.memory_space<vmem>>, %arg8: memref<80x80xf32, #tpu.memory_space<vmem>>, %arg9: memref<80x80xf32, #tpu.memory_space<vmem>>, %arg10: memref<10240x80xf32, #tpu.memory_space<vmem_shared>>, %arg11: memref<!tpu.dma_semaphore, #tpu.memory_space<semaphore_mem>>, %arg12: memref<!tpu.dma_semaphore, #tpu.memory_space<semaphore_mem>>) attributes {dimension_semantics = [#tpu.dimension_semantics<core_parallel>, #tpu.dimension_semantics<subcore_parallel>], iteration_bounds = array<i64: 2, 16>, scalar_prefetch = 0 : i64, scratch_operands = 7 : i64, tpu.core_type = #tpu.core_type<sc_vector_subcore>, window_params = [{transform_indices = #map}, {transform_indices = #map1}, {transform_indices = #map1}, {transform_indices = #map1}]} {
    %mul3A = arith.constant 640 : i32
    %mul3A_0 = arith.muli %arg1, %mul3A : i32
    %multiple_of3A = tpu.assume_multiple %mul3A_0, 640 : i32
    %scan3A = arith.constant 0 : i32
    %scan3A_1 = arith.constant 0 : i32
    %scan3A_2 = arith.constant 80 : i32
    %scan3A_3 = arith.addi %scan3A_1, %scan3A_2 : i32
    %scan3A_4 = arith.constant 1 : i32
    %scan3A_5 = scf.for %scan3A_65 = %scan3A_1 to %scan3A_3 step %scan3A_4 iter_args(%scan3A_66 = %scan3A) -> (i32)  : i32 {
      %scan3A_67 = arith.constant 0 : i32
      %scan3A_68 = arith.constant 0 : i32
      %scan3A_69 = arith.constant 5 : i32
      %scan3A_70 = arith.addi %scan3A_68, %scan3A_69 : i32
      %scan3A_71 = arith.constant 1 : i32
      %scan3A_72 = scf.for %scan3A_74 = %scan3A_68 to %scan3A_70 step %scan3A_71 iter_args(%scan3A_75 = %scan3A_67) -> (i32)  : i32 {
        %broadcast_in_dim3A_76 = arith.constant 0.000000e+00 : f32
        %broadcast_in_dim3A_77 = vector.broadcast %broadcast_in_dim3A_76 : f32 to vector<16xf32>
        %mul3A_78 = arith.constant 16 : i32
        %mul3A_79 = arith.muli %scan3A_74, %mul3A_78 : i32
        %swap3A = arith.index_cast %scan3A_65 : i32 to index
        %swap3A_80 = arith.index_cast %mul3A_79 : i32 to index
        %swap3A_81 = tpu.vector_load %arg8[%swap3A, %swap3A_80] {strides = array<i32>} : memref<80x80xf32, #tpu.memory_space<vmem>>, vector<1x16xf32>,
        %swap3A_82 = vector.shape_cast %swap3A_81 : vector<1x16xf32> to vector<16xf32>
        %swap3A_83 = vector.shape_cast %broadcast_in_dim3A_77 : vector<16xf32> to vector<1x16xf32>
        tpu.vector_store %arg8[%swap3A, %swap3A_80], %swap3A_83 {strides = array<i32>} : memref<80x80xf32, #tpu.memory_space<vmem>>, vector<1x16xf32>,
        %scan3A_84 = arith.constant 0 : i32
        scf.yield %scan3A_84 : i32
      }
      %scan3A_73 = arith.constant 5 : i32
      scf.yield %scan3A_72 : i32
    }
    %scan3A_6 = arith.constant 80 : i32
    %add3A = arith.constant 0 : i32
    %add3A_7 = arith.addi %multiple_of3A, %add3A : i32
    "tpu.region"() ({
      %run_scoped3A = tpu.sem_alloc : memref<!tpu.dma_semaphore, #tpu.memory_space<semaphore_mem>>
      %dma_start3A_65 = arith.constant 0 : i32
      %dma_start3A_66 = tpu.memref_slice %arg10[%add3A_7, %dma_start3A_65] : memref<10240x80xf32, #tpu.memory_space<vmem_shared>> -> memref<80x80xf32, #tpu.memory_space<vmem_shared>>
      %dma_start3A_67 = arith.constant 0 : i32
      %dma_start3A_68 = tpu.memref_slice %arg10[%add3A_7, %dma_start3A_67] : memref<10240x80xf32, #tpu.memory_space<vmem_shared>> -> memref<80x80xf32, #tpu.memory_space<vmem_shared>>
      tpu.enqueue_dma source(%arg8 : memref<80x80xf32, #tpu.memory_space<vmem>>) target(%dma_start3A_68 : memref<80x80xf32, #tpu.memory_space<vmem_shared>>) target_semaphore(%run_scoped3A : memref<!tpu.dma_semaphore, #tpu.memory_space<semaphore_mem>>)
      %dma_wait3A_69 = arith.constant 0 : i32
      %dma_wait3A_70 = tpu.memref_slice %arg10[%add3A_7, %dma_wait3A_69] : memref<10240x80xf32, #tpu.memory_space<vmem_shared>> -> memref<80x80xf32, #tpu.memory_space<vmem_shared>>
      %dma_wait3A_71 = arith.constant 0 : i32
      %dma_wait3A_72 = tpu.memref_slice %arg10[%add3A_7, %dma_wait3A_71] : memref<10240x80xf32, #tpu.memory_space<vmem_shared>> -> memref<80x80xf32, #tpu.memory_space<vmem_shared>>
      tpu.wait_dma2 semaphore(%run_scoped3A : memref<!tpu.dma_semaphore, #tpu.memory_space<semaphore_mem>>) src(%arg8 : memref<80x80xf32, #tpu.memory_space<vmem>>) dst(%dma_wait3A_72 : memref<80x80xf32, #tpu.memory_space<vmem_shared>>)
      tpu.yield
    }) : () -> ()
    %add3A_8 = arith.constant 80 : i32
    %add3A_9 = arith.addi %multiple_of3A, %add3A_8 : i32
    "tpu.region"() ({
      %run_scoped3A = tpu.sem_alloc : memref<!tpu.dma_semaphore, #tpu.memory_space<semaphore_mem>>
      %dma_start3A_65 = arith.constant 0 : i32
      %dma_start3A_66 = tpu.memref_slice %arg10[%add3A_9, %dma_start3A_65] : memref<10240x80xf32, #tpu.memory_space<vmem_shared>> -> memref<80x80xf32, #tpu.memory_space<vmem_shared>>
      %dma_start3A_67 = arith.constant 0 : i32
      %dma_start3A_68 = tpu.memref_slice %arg10[%add3A_9, %dma_start3A_67] : memref<10240x80xf32, #tpu.memory_space<vmem_shared>> -> memref<80x80xf32, #tpu.memory_space<vmem_shared>>
      tpu.enqueue_dma source(%arg8 : memref<80x80xf32, #tpu.memory_space<vmem>>) target(%dma_start3A_68 : memref<80x80xf32, #tpu.memory_space<vmem_shared>>) target_semaphore(%run_scoped3A : memref<!tpu.dma_semaphore, #tpu.memory_space<semaphore_mem>>)
      %dma_wait3A_69 = arith.constant 0 : i32
      %dma_wait3A_70 = tpu.memref_slice %arg10[%add3A_9, %dma_wait3A_69] : memref<10240x80xf32, #tpu.memory_space<vmem_shared>> -> memref<80x80xf32, #tpu.memory_space<vmem_shared>>
      %dma_wait3A_71 = arith.constant 0 : i32
      %dma_wait3A_72 = tpu.memref_slice %arg10[%add3A_9, %dma_wait3A_71] : memref<10240x80xf32, #tpu.memory_space<vmem_shared>> -> memref<80x80xf32, #tpu.memory_space<vmem_shared>>
      tpu.wait_dma2 semaphore(%run_scoped3A : memref<!tpu.dma_semaphore, #tpu.memory_space<semaphore_mem>>) src(%arg8 : memref<80x80xf32, #tpu.memory_space<vmem>>) dst(%dma_wait3A_72 : memref<80x80xf32, #tpu.memory_space<vmem_shared>>)
      tpu.yield
    }) : () -> ()
    %add3A_10 = arith.constant 160 : i32
    %add3A_11 = arith.addi %multiple_of3A, %add3A_10 : i32
    "tpu.region"() ({
      %run_scoped3A = tpu.sem_alloc : memref<!tpu.dma_semaphore, #tpu.memory_space<semaphore_mem>>
      %dma_start3A_65 = arith.constant 0 : i32
      %dma_start3A_66 = tpu.memref_slice %arg10[%add3A_11, %dma_start3A_65] : memref<10240x80xf32, #tpu.memory_space<vmem_shared>> -> memref<80x80xf32, #tpu.memory_space<vmem_shared>>
      %dma_start3A_67 = arith.constant 0 : i32
      %dma_start3A_68 = tpu.memref_slice %arg10[%add3A_11, %dma_start3A_67] : memref<10240x80xf32, #tpu.memory_space<vmem_shared>> -> memref<80x80xf32, #tpu.memory_space<vmem_shared>>
      tpu.enqueue_dma source(%arg8 : memref<80x80xf32, #tpu.memory_space<vmem>>) target(%dma_start3A_68 : memref<80x80xf32, #tpu.memory_space<vmem_shared>>) target_semaphore(%run_scoped3A : memref<!tpu.dma_semaphore, #tpu.memory_space<semaphore_mem>>)
      %dma_wait3A_69 = arith.constant 0 : i32
      %dma_wait3A_70 = tpu.memref_slice %arg10[%add3A_11, %dma_wait3A_69] : memref<10240x80xf32, #tpu.memory_space<vmem_shared>> -> memref<80x80xf32, #tpu.memory_space<vmem_shared>>
      %dma_wait3A_71 = arith.constant 0 : i32
      %dma_wait3A_72 = tpu.memref_slice %arg10[%add3A_11, %dma_wait3A_71] : memref<10240x80xf32, #tpu.memory_space<vmem_shared>> -> memref<80x80xf32, #tpu.memory_space<vmem_shared>>
      tpu.wait_dma2 semaphore(%run_scoped3A : memref<!tpu.dma_semaphore, #tpu.memory_space<semaphore_mem>>) src(%arg8 : memref<80x80xf32, #tpu.memory_space<vmem>>) dst(%dma_wait3A_72 : memref<80x80xf32, #tpu.memory_space<vmem_shared>>)
      tpu.yield
    }) : () -> ()
    %add3A_12 = arith.constant 240 : i32
    %add3A_13 = arith.addi %multiple_of3A, %add3A_12 : i32
    "tpu.region"() ({
      %run_scoped3A = tpu.sem_alloc : memref<!tpu.dma_semaphore, #tpu.memory_space<semaphore_mem>>
      %dma_start3A_65 = arith.constant 0 : i32
      %dma_start3A_66 = tpu.memref_slice %arg10[%add3A_13, %dma_start3A_65] : memref<10240x80xf32, #tpu.memory_space<vmem_shared>> -> memref<80x80xf32, #tpu.memory_space<vmem_shared>>
      %dma_start3A_67 = arith.constant 0 : i32
      %dma_start3A_68 = tpu.memref_slice %arg10[%add3A_13, %dma_start3A_67] : memref<10240x80xf32, #tpu.memory_space<vmem_shared>> -> memref<80x80xf32, #tpu.memory_space<vmem_shared>>
      tpu.enqueue_dma source(%arg8 : memref<80x80xf32, #tpu.memory_space<vmem>>) target(%dma_start3A_68 : memref<80x80xf32, #tpu.memory_space<vmem_shared>>) target_semaphore(%run_scoped3A : memref<!tpu.dma_semaphore, #tpu.memory_space<semaphore_mem>>)
      %dma_wait3A_69 = arith.constant 0 : i32
      %dma_wait3A_70 = tpu.memref_slice %arg10[%add3A_13, %dma_wait3A_69] : memref<10240x80xf32, #tpu.memory_space<vmem_shared>> -> memref<80x80xf32, #tpu.memory_space<vmem_shared>>
      %dma_wait3A_71 = arith.constant 0 : i32
      %dma_wait3A_72 = tpu.memref_slice %arg10[%add3A_13, %dma_wait3A_71] : memref<10240x80xf32, #tpu.memory_space<vmem_shared>> -> memref<80x80xf32, #tpu.memory_space<vmem_shared>>
      tpu.wait_dma2 semaphore(%run_scoped3A : memref<!tpu.dma_semaphore, #tpu.memory_space<semaphore_mem>>) src(%arg8 : memref<80x80xf32, #tpu.memory_space<vmem>>) dst(%dma_wait3A_72 : memref<80x80xf32, #tpu.memory_space<vmem_shared>>)
      tpu.yield
    }) : () -> ()
    %add3A_14 = arith.constant 320 : i32
    %add3A_15 = arith.addi %multiple_of3A, %add3A_14 : i32
    "tpu.region"() ({
      %run_scoped3A = tpu.sem_alloc : memref<!tpu.dma_semaphore, #tpu.memory_space<semaphore_mem>>
      %dma_start3A_65 = arith.constant 0 : i32
      %dma_start3A_66 = tpu.memref_slice %arg10[%add3A_15, %dma_start3A_65] : memref<10240x80xf32, #tpu.memory_space<vmem_shared>> -> memref<80x80xf32, #tpu.memory_space<vmem_shared>>
      %dma_start3A_67 = arith.constant 0 : i32
      %dma_start3A_68 = tpu.memref_slice %arg10[%add3A_15, %dma_start3A_67] : memref<10240x80xf32, #tpu.memory_space<vmem_shared>> -> memref<80x80xf32, #tpu.memory_space<vmem_shared>>
      tpu.enqueue_dma source(%arg8 : memref<80x80xf32, #tpu.memory_space<vmem>>) target(%dma_start3A_68 : memref<80x80xf32, #tpu.memory_space<vmem_shared>>) target_semaphore(%run_scoped3A : memref<!tpu.dma_semaphore, #tpu.memory_space<semaphore_mem>>)
      %dma_wait3A_69 = arith.constant 0 : i32
      %dma_wait3A_70 = tpu.memref_slice %arg10[%add3A_15, %dma_wait3A_69] : memref<10240x80xf32, #tpu.memory_space<vmem_shared>> -> memref<80x80xf32, #tpu.memory_space<vmem_shared>>
      %dma_wait3A_71 = arith.constant 0 : i32
      %dma_wait3A_72 = tpu.memref_slice %arg10[%add3A_15, %dma_wait3A_71] : memref<10240x80xf32, #tpu.memory_space<vmem_shared>> -> memref<80x80xf32, #tpu.memory_space<vmem_shared>>
      tpu.wait_dma2 semaphore(%run_scoped3A : memref<!tpu.dma_semaphore, #tpu.memory_space<semaphore_mem>>) src(%arg8 : memref<80x80xf32, #tpu.memory_space<vmem>>) dst(%dma_wait3A_72 : memref<80x80xf32, #tpu.memory_space<vmem_shared>>)
      tpu.yield
    }) : () -> ()
    %add3A_16 = arith.constant 400 : i32
    %add3A_17 = arith.addi %multiple_of3A, %add3A_16 : i32
    "tpu.region"() ({
      %run_scoped3A = tpu.sem_alloc : memref<!tpu.dma_semaphore, #tpu.memory_space<semaphore_mem>>
      %dma_start3A_65 = arith.constant 0 : i32
      %dma_start3A_66 = tpu.memref_slice %arg10[%add3A_17, %dma_start3A_65] : memref<10240x80xf32, #tpu.memory_space<vmem_shared>> -> memref<80x80xf32, #tpu.memory_space<vmem_shared>>
      %dma_start3A_67 = arith.constant 0 : i32
      %dma_start3A_68 = tpu.memref_slice %arg10[%add3A_17, %dma_start3A_67] : memref<10240x80xf32, #tpu.memory_space<vmem_shared>> -> memref<80x80xf32, #tpu.memory_space<vmem_shared>>
      tpu.enqueue_dma source(%arg8 : memref<80x80xf32, #tpu.memory_space<vmem>>) target(%dma_start3A_68 : memref<80x80xf32, #tpu.memory_space<vmem_shared>>) target_semaphore(%run_scoped3A : memref<!tpu.dma_semaphore, #tpu.memory_space<semaphore_mem>>)
      %dma_wait3A_69 = arith.constant 0 : i32
      %dma_wait3A_70 = tpu.memref_slice %arg10[%add3A_17, %dma_wait3A_69] : memref<10240x80xf32, #tpu.memory_space<vmem_shared>> -> memref<80x80xf32, #tpu.memory_space<vmem_shared>>
      %dma_wait3A_71 = arith.constant 0 : i32
      %dma_wait3A_72 = tpu.memref_slice %arg10[%add3A_17, %dma_wait3A_71] : memref<10240x80xf32, #tpu.memory_space<vmem_shared>> -> memref<80x80xf32, #tpu.memory_space<vmem_shared>>
      tpu.wait_dma2 semaphore(%run_scoped3A : memref<!tpu.dma_semaphore, #tpu.memory_space<semaphore_mem>>) src(%arg8 : memref<80x80xf32, #tpu.memory_space<vmem>>) dst(%dma_wait3A_72 : memref<80x80xf32, #tpu.memory_space<vmem_shared>>)
      tpu.yield
    }) : () -> ()
    %add3A_18 = arith.constant 480 : i32
    %add3A_19 = arith.addi %multiple_of3A, %add3A_18 : i32
    "tpu.region"() ({
      %run_scoped3A = tpu.sem_alloc : memref<!tpu.dma_semaphore, #tpu.memory_space<semaphore_mem>>
      %dma_start3A_65 = arith.constant 0 : i32
      %dma_start3A_66 = tpu.memref_slice %arg10[%add3A_19, %dma_start3A_65] : memref<10240x80xf32, #tpu.memory_space<vmem_shared>> -> memref<80x80xf32, #tpu.memory_space<vmem_shared>>
      %dma_start3A_67 = arith.constant 0 : i32
      %dma_start3A_68 = tpu.memref_slice %arg10[%add3A_19, %dma_start3A_67] : memref<10240x80xf32, #tpu.memory_space<vmem_shared>> -> memref<80x80xf32, #tpu.memory_space<vmem_shared>>
      tpu.enqueue_dma source(%arg8 : memref<80x80xf32, #tpu.memory_space<vmem>>) target(%dma_start3A_68 : memref<80x80xf32, #tpu.memory_space<vmem_shared>>) target_semaphore(%run_scoped3A : memref<!tpu.dma_semaphore, #tpu.memory_space<semaphore_mem>>)
      %dma_wait3A_69 = arith.constant 0 : i32
      %dma_wait3A_70 = tpu.memref_slice %arg10[%add3A_19, %dma_wait3A_69] : memref<10240x80xf32, #tpu.memory_space<vmem_shared>> -> memref<80x80xf32, #tpu.memory_space<vmem_shared>>
      %dma_wait3A_71 = arith.constant 0 : i32
      %dma_wait3A_72 = tpu.memref_slice %arg10[%add3A_19, %dma_wait3A_71] : memref<10240x80xf32, #tpu.memory_space<vmem_shared>> -> memref<80x80xf32, #tpu.memory_space<vmem_shared>>
      tpu.wait_dma2 semaphore(%run_scoped3A : memref<!tpu.dma_semaphore, #tpu.memory_space<semaphore_mem>>) src(%arg8 : memref<80x80xf32, #tpu.memory_space<vmem>>) dst(%dma_wait3A_72 : memref<80x80xf32, #tpu.memory_space<vmem_shared>>)
      tpu.yield
    }) : () -> ()
    %add3A_20 = arith.constant 560 : i32
    %add3A_21 = arith.addi %multiple_of3A, %add3A_20 : i32
    "tpu.region"() ({
      %run_scoped3A = tpu.sem_alloc : memref<!tpu.dma_semaphore, #tpu.memory_space<semaphore_mem>>
      %dma_start3A_65 = arith.constant 0 : i32
      %dma_start3A_66 = tpu.memref_slice %arg10[%add3A_21, %dma_start3A_65] : memref<10240x80xf32, #tpu.memory_space<vmem_shared>> -> memref<80x80xf32, #tpu.memory_space<vmem_shared>>
      %dma_start3A_67 = arith.constant 0 : i32
      %dma_start3A_68 = tpu.memref_slice %arg10[%add3A_21, %dma_start3A_67] : memref<10240x80xf32, #tpu.memory_space<vmem_shared>> -> memref<80x80xf32, #tpu.memory_space<vmem_shared>>
      tpu.enqueue_dma source(%arg8 : memref<80x80xf32, #tpu.memory_space<vmem>>) target(%dma_start3A_68 : memref<80x80xf32, #tpu.memory_space<vmem_shared>>) target_semaphore(%run_scoped3A : memref<!tpu.dma_semaphore, #tpu.memory_space<semaphore_mem>>)
      %dma_wait3A_69 = arith.constant 0 : i32
      %dma_wait3A_70 = tpu.memref_slice %arg10[%add3A_21, %dma_wait3A_69] : memref<10240x80xf32, #tpu.memory_space<vmem_shared>> -> memref<80x80xf32, #tpu.memory_space<vmem_shared>>
      %dma_wait3A_71 = arith.constant 0 : i32
      %dma_wait3A_72 = tpu.memref_slice %arg10[%add3A_21, %dma_wait3A_71] : memref<10240x80xf32, #tpu.memory_space<vmem_shared>> -> memref<80x80xf32, #tpu.memory_space<vmem_shared>>
      tpu.wait_dma2 semaphore(%run_scoped3A : memref<!tpu.dma_semaphore, #tpu.memory_space<semaphore_mem>>) src(%arg8 : memref<80x80xf32, #tpu.memory_space<vmem>>) dst(%dma_wait3A_72 : memref<80x80xf32, #tpu.memory_space<vmem_shared>>)
      tpu.yield
    }) : () -> ()
    "tpu.region"() ({
      %run_scoped3A = tpu.sem_alloc : memref<!tpu.dma_semaphore, #tpu.memory_space<semaphore_mem>>
      %dma_start3A_65 = arith.constant 0 : i32
      %dma_start3A_66 = arith.constant 0 : i32
      %dma_start3A_67 = tpu.memref_slice %arg3[%arg1, %dma_start3A_65, %dma_start3A_66] : memref<16x252x80xi32, #tpu.memory_space<hbm>> -> memref<1x252x80xi32, #tpu.memory_space<hbm>>
      %dma_start3A_68 = tpu.memref_squeeze %dma_start3A_67 : memref<1x252x80xi32, #tpu.memory_space<hbm>> -> memref<252x80xi32, #tpu.memory_space<hbm>>
      %dma_start3A_69 = arith.constant 0 : i32
      %dma_start3A_70 = arith.constant 0 : i32
      %dma_start3A_71 = tpu.memref_slice %arg3[%arg1, %dma_start3A_69, %dma_start3A_70] : memref<16x252x80xi32, #tpu.memory_space<hbm>> -> memref<1x252x80xi32, #tpu.memory_space<hbm>>
      %dma_start3A_72 = tpu.memref_squeeze %dma_start3A_71 : memref<1x252x80xi32, #tpu.memory_space<hbm>> -> memref<252x80xi32, #tpu.memory_space<hbm>>
      tpu.enqueue_dma source(%dma_start3A_72 : memref<252x80xi32, #tpu.memory_space<hbm>>) target(%arg6 : memref<252x80xi32, #tpu.memory_space<vmem>>) target_semaphore(%run_scoped3A : memref<!tpu.dma_semaphore, #tpu.memory_space<semaphore_mem>>)
      %dma_wait3A_73 = arith.constant 0 : i32
      %dma_wait3A_74 = arith.constant 0 : i32
      %dma_wait3A_75 = tpu.memref_slice %arg3[%arg1, %dma_wait3A_73, %dma_wait3A_74] : memref<16x252x80xi32, #tpu.memory_space<hbm>> -> memref<1x252x80xi32, #tpu.memory_space<hbm>>
      %dma_wait3A_76 = tpu.memref_squeeze %dma_wait3A_75 : memref<1x252x80xi32, #tpu.memory_space<hbm>> -> memref<252x80xi32, #tpu.memory_space<hbm>>
      %dma_wait3A_77 = arith.constant 0 : i32
      %dma_wait3A_78 = arith.constant 0 : i32
      %dma_wait3A_79 = tpu.memref_slice %arg3[%arg1, %dma_wait3A_77, %dma_wait3A_78] : memref<16x252x80xi32, #tpu.memory_space<hbm>> -> memref<1x252x80xi32, #tpu.memory_space<hbm>>
      %dma_wait3A_80 = tpu.memref_squeeze %dma_wait3A_79 : memref<1x252x80xi32, #tpu.memory_space<hbm>> -> memref<252x80xi32, #tpu.memory_space<hbm>>
      tpu.wait_dma2 semaphore(%run_scoped3A : memref<!tpu.dma_semaphore, #tpu.memory_space<semaphore_mem>>) src(%dma_wait3A_80 : memref<252x80xi32, #tpu.memory_space<hbm>>) dst(%arg6 : memref<252x80xi32, #tpu.memory_space<vmem>>)
      tpu.yield
    }) : () -> ()
    "tpu.region"() ({
      %run_scoped3A = tpu.sem_alloc : memref<!tpu.dma_semaphore, #tpu.memory_space<semaphore_mem>>
      %dma_start3A_65 = arith.constant 0 : i32
      %dma_start3A_66 = arith.constant 0 : i32
      %dma_start3A_67 = tpu.memref_slice %arg4[%arg1, %dma_start3A_65, %dma_start3A_66] : memref<16x250x80xi32, #tpu.memory_space<hbm>> -> memref<1x250x80xi32, #tpu.memory_space<hbm>>
      %dma_start3A_68 = tpu.memref_squeeze %dma_start3A_67 : memref<1x250x80xi32, #tpu.memory_space<hbm>> -> memref<250x80xi32, #tpu.memory_space<hbm>>
      %dma_start3A_69 = arith.constant 0 : i32
      %dma_start3A_70 = arith.constant 0 : i32
      %dma_start3A_71 = tpu.memref_slice %arg4[%arg1, %dma_start3A_69, %dma_start3A_70] : memref<16x250x80xi32, #tpu.memory_space<hbm>> -> memref<1x250x80xi32, #tpu.memory_space<hbm>>
      %dma_start3A_72 = tpu.memref_squeeze %dma_start3A_71 : memref<1x250x80xi32, #tpu.memory_space<hbm>> -> memref<250x80xi32, #tpu.memory_space<hbm>>
      tpu.enqueue_dma source(%dma_start3A_72 : memref<250x80xi32, #tpu.memory_space<hbm>>) target(%arg7 : memref<250x80xi32, #tpu.memory_space<vmem>>) target_semaphore(%run_scoped3A : memref<!tpu.dma_semaphore, #tpu.memory_space<semaphore_mem>>)
      %dma_wait3A_73 = arith.constant 0 : i32
      %dma_wait3A_74 = arith.constant 0 : i32
      %dma_wait3A_75 = tpu.memref_slice %arg4[%arg1, %dma_wait3A_73, %dma_wait3A_74] : memref<16x250x80xi32, #tpu.memory_space<hbm>> -> memref<1x250x80xi32, #tpu.memory_space<hbm>>
      %dma_wait3A_76 = tpu.memref_squeeze %dma_wait3A_75 : memref<1x250x80xi32, #tpu.memory_space<hbm>> -> memref<250x80xi32, #tpu.memory_space<hbm>>
      %dma_wait3A_77 = arith.constant 0 : i32
      %dma_wait3A_78 = arith.constant 0 : i32
      %dma_wait3A_79 = tpu.memref_slice %arg4[%arg1, %dma_wait3A_77, %dma_wait3A_78] : memref<16x250x80xi32, #tpu.memory_space<hbm>> -> memref<1x250x80xi32, #tpu.memory_space<hbm>>
      %dma_wait3A_80 = tpu.memref_squeeze %dma_wait3A_79 : memref<1x250x80xi32, #tpu.memory_space<hbm>> -> memref<250x80xi32, #tpu.memory_space<hbm>>
      tpu.wait_dma2 semaphore(%run_scoped3A : memref<!tpu.dma_semaphore, #tpu.memory_space<semaphore_mem>>) src(%dma_wait3A_80 : memref<250x80xi32, #tpu.memory_space<hbm>>) dst(%arg7 : memref<250x80xi32, #tpu.memory_space<vmem>>)
      tpu.yield
    }) : () -> ()
    %mul3A_22 = arith.constant 10240 : i32
    %mul3A_23 = arith.muli %arg0, %mul3A_22 : i32
    %broadcast_in_dim3A = vector.broadcast %mul3A_23 : i32 to vector<16xi32>
    %scan3A_24 = arith.constant 0 : i32
    %scan3A_25 = arith.constant 0 : i32
    %scan3A_26 = arith.constant 252 : i32
    %scan3A_27 = arith.addi %scan3A_25, %scan3A_26 : i32
    %scan3A_28 = arith.constant 1 : i32
    %scan3A_29 = scf.for %scan3A_65 = %scan3A_25 to %scan3A_27 step %scan3A_28 iter_args(%scan3A_66 = %scan3A_24) -> (i32)  : i32 {
      %scan3A_67 = arith.constant 0 : i32
      %scan3A_68 = arith.constant 0 : i32
      %scan3A_69 = arith.constant 5 : i32
      %scan3A_70 = arith.addi %scan3A_68, %scan3A_69 : i32
      %scan3A_71 = arith.constant 1 : i32
      %scan3A_72 = scf.for %scan3A_74 = %scan3A_68 to %scan3A_70 step %scan3A_71 iter_args(%scan3A_75 = %scan3A_67) -> (i32)  : i32 {
        %mul3A_76 = arith.constant 16 : i32
        %mul3A_77 = arith.muli %scan3A_74, %mul3A_76 : i32
        %get3A = arith.index_cast %scan3A_65 : i32 to index
        %get3A_78 = arith.index_cast %mul3A_77 : i32 to index
        %get3A_79 = tpu.vector_load %arg6[%get3A, %get3A_78] {strides = array<i32>} : memref<252x80xi32, #tpu.memory_space<vmem>>, vector<1x16xi32>,
        %get3A_80 = vector.shape_cast %get3A_79 : vector<1x16xi32> to vector<16xi32>
        %add3A_81 = arith.addi %get3A_80, %broadcast_in_dim3A : vector<16xi32>
        %mul3A_82 = arith.constant 16 : i32
        %mul3A_83 = arith.muli %scan3A_74, %mul3A_82 : i32
        %swap3A = arith.index_cast %scan3A_65 : i32 to index
        %swap3A_84 = arith.index_cast %mul3A_83 : i32 to index
        %swap3A_85 = tpu.vector_load %arg6[%swap3A, %swap3A_84] {strides = array<i32>} : memref<252x80xi32, #tpu.memory_space<vmem>>, vector<1x16xi32>,
        %swap3A_86 = vector.shape_cast %swap3A_85 : vector<1x16xi32> to vector<16xi32>
        %swap3A_87 = vector.shape_cast %add3A_81 : vector<16xi32> to vector<1x16xi32>
        tpu.vector_store %arg6[%swap3A, %swap3A_84], %swap3A_87 {strides = array<i32>} : memref<252x80xi32, #tpu.memory_space<vmem>>, vector<1x16xi32>,
        %scan3A_88 = arith.constant 0 : i32
        scf.yield %scan3A_88 : i32
      }
      %scan3A_73 = arith.constant 5 : i32
      scf.yield %scan3A_72 : i32
    }
    %scan3A_30 = arith.constant 252 : i32
    %barrier3A = arith.constant 0 : index
    tpu.barrier barrier_id(%barrier3A)
    %dma_start3A = arith.constant 0 : i32
    %dma_start3A_31 = arith.constant 0 : i32
    %dma_start3A_32 = tpu.memref_slice %arg6[%dma_start3A, %dma_start3A_31] : memref<252x80xi32, #tpu.memory_space<vmem>> -> memref<1x80xi32, #tpu.memory_space<vmem>>
    %dma_start3A_33 = tpu.memref_squeeze %dma_start3A_32 : memref<1x80xi32, #tpu.memory_space<vmem>> -> memref<80xi32, #tpu.memory_space<vmem>>
    %dma_start3A_34 = arith.constant 0 : i32
    %dma_start3A_35 = arith.constant 0 : i32
    %dma_start3A_36 = tpu.memref_slice %arg2[%dma_start3A_34, %dma_start3A_35] : memref<20480x80xf32, #tpu.memory_space<hbm>> -> memref<20480x80xf32, #tpu.memory_space<hbm>>
    tpu.enqueue_indirect_dma source(%dma_start3A_36 : memref<20480x80xf32, #tpu.memory_space<hbm>>) target(%arg8 : memref<80x80xf32, #tpu.memory_space<vmem>>) offsets(%dma_start3A_33 : memref<80xi32, #tpu.memory_space<vmem>>) semaphore(%arg11 : memref<!tpu.dma_semaphore, #tpu.memory_space<semaphore_mem>>)
    %dma_start3A_37 = arith.constant 1 : i32
    %dma_start3A_38 = arith.constant 0 : i32
    %dma_start3A_39 = tpu.memref_slice %arg6[%dma_start3A_37, %dma_start3A_38] : memref<252x80xi32, #tpu.memory_space<vmem>> -> memref<1x80xi32, #tpu.memory_space<vmem>>
    %dma_start3A_40 = tpu.memref_squeeze %dma_start3A_39 : memref<1x80xi32, #tpu.memory_space<vmem>> -> memref<80xi32, #tpu.memory_space<vmem>>
    %dma_start3A_41 = arith.constant 0 : i32
    %dma_start3A_42 = arith.constant 0 : i32
    %dma_start3A_43 = tpu.memref_slice %arg2[%dma_start3A_41, %dma_start3A_42] : memref<20480x80xf32, #tpu.memory_space<hbm>> -> memref<20480x80xf32, #tpu.memory_space<hbm>>
    tpu.enqueue_indirect_dma source(%dma_start3A_43 : memref<20480x80xf32, #tpu.memory_space<hbm>>) target(%arg9 : memref<80x80xf32, #tpu.memory_space<vmem>>) offsets(%dma_start3A_40 : memref<80xi32, #tpu.memory_space<vmem>>) semaphore(%arg12 : memref<!tpu.dma_semaphore, #tpu.memory_space<semaphore_mem>>)
    %scan3A_44 = arith.constant 0 : i32
    %scan3A_45 = arith.constant 0 : i32
    %scan3A_46 = arith.constant 125 : i32
    %scan3A_47 = arith.addi %scan3A_45, %scan3A_46 : i32
    %scan3A_48 = arith.constant 1 : i32
    %scan3A_49 = scf.for %scan3A_65 = %scan3A_45 to %scan3A_47 step %scan3A_48 iter_args(%scan3A_66 = %scan3A_44) -> (i32)  : i32 {
      %mul3A_67 = arith.constant 2 : i32
      %mul3A_68 = arith.muli %mul3A_67, %scan3A_65 : i32
      %dma_wait3A_69 = arith.constant 0 : i32
      %dma_wait3A_70 = tpu.memref_slice %arg6[%mul3A_68, %dma_wait3A_69] : memref<252x80xi32, #tpu.memory_space<vmem>> -> memref<1x80xi32, #tpu.memory_space<vmem>>
      %dma_wait3A_71 = tpu.memref_squeeze %dma_wait3A_70 : memref<1x80xi32, #tpu.memory_space<vmem>> -> memref<80xi32, #tpu.memory_space<vmem>>
      %dma_wait3A_72 = arith.constant 0 : i32
      %dma_wait3A_73 = arith.constant 0 : i32
      %dma_wait3A_74 = tpu.memref_slice %arg2[%dma_wait3A_72, %dma_wait3A_73] : memref<20480x80xf32, #tpu.memory_space<hbm>> -> memref<20480x80xf32, #tpu.memory_space<hbm>>
      tpu.wait_indirect_dma semaphore(%arg11 : memref<!tpu.dma_semaphore, #tpu.memory_space<semaphore_mem>>) src(%dma_wait3A_74 : memref<20480x80xf32, #tpu.memory_space<hbm>>) dst(%arg8 : memref<80x80xf32, #tpu.memory_space<vmem>>)
      "tpu.region"() ({
        %run_scoped3A = tpu.sem_alloc : memref<!tpu.dma_semaphore, #tpu.memory_space<semaphore_mem>>
        %dma_start3A_102 = arith.constant 0 : i32
        %dma_start3A_103 = tpu.memref_slice %arg7[%mul3A_68, %dma_start3A_102] : memref<250x80xi32, #tpu.memory_space<vmem>> -> memref<1x80xi32, #tpu.memory_space<vmem>>
        %dma_start3A_104 = tpu.memref_squeeze %dma_start3A_103 : memref<1x80xi32, #tpu.memory_space<vmem>> -> memref<80xi32, #tpu.memory_space<vmem>>
        %dma_start3A_105 = arith.constant 0 : i32
        %dma_start3A_106 = arith.constant 0 : i32
        %dma_start3A_107 = tpu.memref_slice %arg10[%dma_start3A_105, %dma_start3A_106] : memref<10240x80xf32, #tpu.memory_space<vmem_shared>> -> memref<10240x80xf32, #tpu.memory_space<vmem_shared>>
        tpu.enqueue_indirect_dma source(%arg8 : memref<80x80xf32, #tpu.memory_space<vmem>>) target(%dma_start3A_107 : memref<10240x80xf32, #tpu.memory_space<vmem_shared>>) offsets(%dma_start3A_104 : memref<80xi32, #tpu.memory_space<vmem>>) semaphore(%run_scoped3A : memref<!tpu.dma_semaphore, #tpu.memory_space<semaphore_mem>>) {add = true}
        %dma_wait3A_108 = arith.constant 0 : i32
        %dma_wait3A_109 = tpu.memref_slice %arg7[%mul3A_68, %dma_wait3A_108] : memref<250x80xi32, #tpu.memory_space<vmem>> -> memref<1x80xi32, #tpu.memory_space<vmem>>
        %dma_wait3A_110 = tpu.memref_squeeze %dma_wait3A_109 : memref<1x80xi32, #tpu.memory_space<vmem>> -> memref<80xi32, #tpu.memory_space<vmem>>
        %dma_wait3A_111 = arith.constant 0 : i32
        %dma_wait3A_112 = arith.constant 0 : i32
        %dma_wait3A_113 = tpu.memref_slice %arg10[%dma_wait3A_111, %dma_wait3A_112] : memref<10240x80xf32, #tpu.memory_space<vmem_shared>> -> memref<10240x80xf32, #tpu.memory_space<vmem_shared>>
        tpu.wait_indirect_dma semaphore(%run_scoped3A : memref<!tpu.dma_semaphore, #tpu.memory_space<semaphore_mem>>) src(%arg8 : memref<80x80xf32, #tpu.memory_space<vmem>>) dst(%dma_wait3A_113 : memref<10240x80xf32, #tpu.memory_space<vmem_shared>>)
        tpu.yield
      }) : () -> ()
      %add3A_75 = arith.constant 2 : i32
      %add3A_76 = arith.addi %mul3A_68, %add3A_75 : i32
      %dma_start3A_77 = arith.constant 0 : i32
      %dma_start3A_78 = tpu.memref_slice %arg6[%add3A_76, %dma_start3A_77] : memref<252x80xi32, #tpu.memory_space<vmem>> -> memref<1x80xi32, #tpu.memory_space<vmem>>
      %dma_start3A_79 = tpu.memref_squeeze %dma_start3A_78 : memref<1x80xi32, #tpu.memory_space<vmem>> -> memref<80xi32, #tpu.memory_space<vmem>>
      %dma_start3A_80 = arith.constant 0 : i32
      %dma_start3A_81 = arith.constant 0 : i32
      %dma_start3A_82 = tpu.memref_slice %arg2[%dma_start3A_80, %dma_start3A_81] : memref<20480x80xf32, #tpu.memory_space<hbm>> -> memref<20480x80xf32, #tpu.memory_space<hbm>>
      tpu.enqueue_indirect_dma source(%dma_start3A_82 : memref<20480x80xf32, #tpu.memory_space<hbm>>) target(%arg8 : memref<80x80xf32, #tpu.memory_space<vmem>>) offsets(%dma_start3A_79 : memref<80xi32, #tpu.memory_space<vmem>>) semaphore(%arg11 : memref<!tpu.dma_semaphore, #tpu.memory_space<semaphore_mem>>)
      %mul3A_83 = arith.constant 2 : i32
      %mul3A_84 = arith.muli %mul3A_83, %scan3A_65 : i32
      %add3A_85 = arith.constant 1 : i32
      %add3A_86 = arith.addi %mul3A_84, %add3A_85 : i32
      %dma_wait3A_87 = arith.constant 0 : i32
      %dma_wait3A_88 = tpu.memref_slice %arg6[%add3A_86, %dma_wait3A_87] : memref<252x80xi32, #tpu.memory_space<vmem>> -> memref<1x80xi32, #tpu.memory_space<vmem>>
      %dma_wait3A_89 = tpu.memref_squeeze %dma_wait3A_88 : memref<1x80xi32, #tpu.memory_space<vmem>> -> memref<80xi32, #tpu.memory_space<vmem>>
      %dma_wait3A_90 = arith.constant 0 : i32
      %dma_wait3A_91 = arith.constant 0 : i32
      %dma_wait3A_92 = tpu.memref_slice %arg2[%dma_wait3A_90, %dma_wait3A_91] : memref<20480x80xf32, #tpu.memory_space<hbm>> -> memref<20480x80xf32, #tpu.memory_space<hbm>>
      tpu.wait_indirect_dma semaphore(%arg12 : memref<!tpu.dma_semaphore, #tpu.memory_space<semaphore_mem>>) src(%dma_wait3A_92 : memref<20480x80xf32, #tpu.memory_space<hbm>>) dst(%arg9 : memref<80x80xf32, #tpu.memory_space<vmem>>)
      "tpu.region"() ({
        %run_scoped3A = tpu.sem_alloc : memref<!tpu.dma_semaphore, #tpu.memory_space<semaphore_mem>>
        %dma_start3A_102 = arith.constant 0 : i32
        %dma_start3A_103 = tpu.memref_slice %arg7[%add3A_86, %dma_start3A_102] : memref<250x80xi32, #tpu.memory_space<vmem>> -> memref<1x80xi32, #tpu.memory_space<vmem>>
        %dma_start3A_104 = tpu.memref_squeeze %dma_start3A_103 : memref<1x80xi32, #tpu.memory_space<vmem>> -> memref<80xi32, #tpu.memory_space<vmem>>
        %dma_start3A_105 = arith.constant 0 : i32
        %dma_start3A_106 = arith.constant 0 : i32
        %dma_start3A_107 = tpu.memref_slice %arg10[%dma_start3A_105, %dma_start3A_106] : memref<10240x80xf32, #tpu.memory_space<vmem_shared>> -> memref<10240x80xf32, #tpu.memory_space<vmem_shared>>
        tpu.enqueue_indirect_dma source(%arg9 : memref<80x80xf32, #tpu.memory_space<vmem>>) target(%dma_start3A_107 : memref<10240x80xf32, #tpu.memory_space<vmem_shared>>) offsets(%dma_start3A_104 : memref<80xi32, #tpu.memory_space<vmem>>) semaphore(%run_scoped3A : memref<!tpu.dma_semaphore, #tpu.memory_space<semaphore_mem>>) {add = true}
        %dma_wait3A_108 = arith.constant 0 : i32
        %dma_wait3A_109 = tpu.memref_slice %arg7[%add3A_86, %dma_wait3A_108] : memref<250x80xi32, #tpu.memory_space<vmem>> -> memref<1x80xi32, #tpu.memory_space<vmem>>
        %dma_wait3A_110 = tpu.memref_squeeze %dma_wait3A_109 : memref<1x80xi32, #tpu.memory_space<vmem>> -> memref<80xi32, #tpu.memory_space<vmem>>
        %dma_wait3A_111 = arith.constant 0 : i32
        %dma_wait3A_112 = arith.constant 0 : i32
        %dma_wait3A_113 = tpu.memref_slice %arg10[%dma_wait3A_111, %dma_wait3A_112] : memref<10240x80xf32, #tpu.memory_space<vmem_shared>> -> memref<10240x80xf32, #tpu.memory_space<vmem_shared>>
        tpu.wait_indirect_dma semaphore(%run_scoped3A : memref<!tpu.dma_semaphore, #tpu.memory_space<semaphore_mem>>) src(%arg9 : memref<80x80xf32, #tpu.memory_space<vmem>>) dst(%dma_wait3A_113 : memref<10240x80xf32, #tpu.memory_space<vmem_shared>>)
        tpu.yield
      }) : () -> ()
      %add3A_93 = arith.constant 2 : i32
      %add3A_94 = arith.addi %add3A_86, %add3A_93 : i32
      %dma_start3A_95 = arith.constant 0 : i32
      %dma_start3A_96 = tpu.memref_slice %arg6[%add3A_94, %dma_start3A_95] : memref<252x80xi32, #tpu.memory_space<vmem>> -> memref<1x80xi32, #tpu.memory_space<vmem>>
      %dma_start3A_97 = tpu.memref_squeeze %dma_start3A_96 : memref<1x80xi32, #tpu.memory_space<vmem>> -> memref<80xi32, #tpu.memory_space<vmem>>
      %dma_start3A_98 = arith.constant 0 : i32
      %dma_start3A_99 = arith.constant 0 : i32
      %dma_start3A_100 = tpu.memref_slice %arg2[%dma_start3A_98, %dma_start3A_99] : memref<20480x80xf32, #tpu.memory_space<hbm>> -> memref<20480x80xf32, #tpu.memory_space<hbm>>
      tpu.enqueue_indirect_dma source(%dma_start3A_100 : memref<20480x80xf32, #tpu.memory_space<hbm>>) target(%arg9 : memref<80x80xf32, #tpu.memory_space<vmem>>) offsets(%dma_start3A_97 : memref<80xi32, #tpu.memory_space<vmem>>) semaphore(%arg12 : memref<!tpu.dma_semaphore, #tpu.memory_space<semaphore_mem>>)
      %scan3A_101 = arith.constant 0 : i32
      scf.yield %scan3A_101 : i32
    }
    %scan3A_50 = arith.constant 125 : i32
    %dma_wait3A = arith.constant 0 : i32
    %dma_wait3A_51 = arith.constant 0 : i32
    %dma_wait3A_52 = tpu.memref_slice %arg6[%dma_wait3A, %dma_wait3A_51] : memref<252x80xi32, #tpu.memory_space<vmem>> -> memref<1x80xi32, #tpu.memory_space<vmem>>
    %dma_wait3A_53 = tpu.memref_squeeze %dma_wait3A_52 : memref<1x80xi32, #tpu.memory_space<vmem>> -> memref<80xi32, #tpu.memory_space<vmem>>
    %dma_wait3A_54 = arith.constant 0 : i32
    %dma_wait3A_55 = arith.constant 0 : i32
    %dma_wait3A_56 = tpu.memref_slice %arg2[%dma_wait3A_54, %dma_wait3A_55] : memref<20480x80xf32, #tpu.memory_space<hbm>> -> memref<20480x80xf32, #tpu.memory_space<hbm>>
    tpu.wait_indirect_dma semaphore(%arg11 : memref<!tpu.dma_semaphore, #tpu.memory_space<semaphore_mem>>) src(%dma_wait3A_56 : memref<20480x80xf32, #tpu.memory_space<hbm>>) dst(%arg8 : memref<80x80xf32, #tpu.memory_space<vmem>>)
    %dma_wait3A_57 = arith.constant 0 : i32
    %dma_wait3A_58 = arith.constant 0 : i32
    %dma_wait3A_59 = tpu.memref_slice %arg6[%dma_wait3A_57, %dma_wait3A_58] : memref<252x80xi32, #tpu.memory_space<vmem>> -> memref<1x80xi32, #tpu.memory_space<vmem>>
    %dma_wait3A_60 = tpu.memref_squeeze %dma_wait3A_59 : memref<1x80xi32, #tpu.memory_space<vmem>> -> memref<80xi32, #tpu.memory_space<vmem>>
    %dma_wait3A_61 = arith.constant 0 : i32
    %dma_wait3A_62 = arith.constant 0 : i32
    %dma_wait3A_63 = tpu.memref_slice %arg2[%dma_wait3A_61, %dma_wait3A_62] : memref<20480x80xf32, #tpu.memory_space<hbm>> -> memref<20480x80xf32, #tpu.memory_space<hbm>>
    tpu.wait_indirect_dma semaphore(%arg12 : memref<!tpu.dma_semaphore, #tpu.memory_space<semaphore_mem>>) src(%dma_wait3A_63 : memref<20480x80xf32, #tpu.memory_space<hbm>>) dst(%arg9 : memref<80x80xf32, #tpu.memory_space<vmem>>)
    %barrier3A_64 = arith.constant 0 : index
    tpu.barrier barrier_id(%barrier3A_64)
    "tpu.region"() ({
      %run_scoped3A = tpu.sem_alloc : memref<!tpu.dma_semaphore, #tpu.memory_space<semaphore_mem>>
      %dma_start3A_65 = arith.constant 0 : i32
      %dma_start3A_66 = tpu.memref_slice %arg5[%arg0, %multiple_of3A, %dma_start3A_65] : memref<2x10240x80xf32, #tpu.memory_space<hbm>> -> memref<1x640x80xf32, #tpu.memory_space<hbm>>
      %dma_start3A_67 = tpu.memref_squeeze %dma_start3A_66 : memref<1x640x80xf32, #tpu.memory_space<hbm>> -> memref<640x80xf32, #tpu.memory_space<hbm>>
      %dma_start3A_68 = arith.constant 0 : i32
      %dma_start3A_69 = tpu.memref_slice %arg10[%multiple_of3A, %dma_start3A_68] : memref<10240x80xf32, #tpu.memory_space<vmem_shared>> -> memref<640x80xf32, #tpu.memory_space<vmem_shared>>
      tpu.enqueue_dma source(%dma_start3A_69 : memref<640x80xf32, #tpu.memory_space<vmem_shared>>) target(%dma_start3A_67 : memref<640x80xf32, #tpu.memory_space<hbm>>) target_semaphore(%run_scoped3A : memref<!tpu.dma_semaphore, #tpu.memory_space<semaphore_mem>>)
      %dma_wait3A_70 = arith.constant 0 : i32
      %dma_wait3A_71 = tpu.memref_slice %arg5[%arg0, %multiple_of3A, %dma_wait3A_70] : memref<2x10240x80xf32, #tpu.memory_space<hbm>> -> memref<1x640x80xf32, #tpu.memory_space<hbm>>
      %dma_wait3A_72 = tpu.memref_squeeze %dma_wait3A_71 : memref<1x640x80xf32, #tpu.memory_space<hbm>> -> memref<640x80xf32, #tpu.memory_space<hbm>>
      %dma_wait3A_73 = arith.constant 0 : i32
      %dma_wait3A_74 = tpu.memref_slice %arg10[%multiple_of3A, %dma_wait3A_73] : memref<10240x80xf32, #tpu.memory_space<vmem_shared>> -> memref<640x80xf32, #tpu.memory_space<vmem_shared>>
      tpu.wait_dma2 semaphore(%run_scoped3A : memref<!tpu.dma_semaphore, #tpu.memory_space<semaphore_mem>>) src(%dma_wait3A_74 : memref<640x80xf32, #tpu.memory_space<vmem_shared>>) dst(%dma_wait3A_72 : memref<640x80xf32, #tpu.memory_space<hbm>>)
      tpu.yield
    }) : () -> ()
    return
  }
}

#map = affine_map<(d0, d1) -> (0, 0)>
#map1 = affine_map<(d0, d1) -> (0, 0, 0)>
module attributes {stable_mosaic.version = 14 : i64} {
  func.func @k(%arg0: i32, %arg1: i32, %arg2: memref<10240x16xf32, #tpu.memory_space<hbm>>, %arg3: memref<32x128x80xi32, #tpu.memory_space<hbm>>, %arg4: memref<32x126x80xi32, #tpu.memory_space<hbm>>, %arg5: memref<2x10240x16xf32, #tpu.memory_space<hbm>>, %arg6: memref<128x80xi32, #tpu.memory_space<vmem>>, %arg7: memref<126x80xi32, #tpu.memory_space<vmem>>, %arg8: memref<80x16xf32, #tpu.memory_space<vmem>>, %arg9: memref<80x16xf32, #tpu.memory_space<vmem>>, %arg10: memref<10240x16xf32, #tpu.memory_space<vmem_shared>>, %arg11: memref<!tpu.dma_semaphore, #tpu.memory_space<semaphore_mem>>, %arg12: memref<!tpu.dma_semaphore, #tpu.memory_space<semaphore_mem>>) attributes {dimension_semantics = [#tpu.dimension_semantics<core_parallel>, #tpu.dimension_semantics<subcore_parallel>], iteration_bounds = array<i64: 2, 16>, scalar_prefetch = 0 : i64, scratch_operands = 7 : i64, tpu.core_type = #tpu.core_type<sc_vector_subcore>, window_params = [{transform_indices = #map}, {transform_indices = #map1}, {transform_indices = #map1}, {transform_indices = #map1}]} {
    %mul3A = arith.constant 16 : i32
    %mul3A_0 = arith.muli %arg0, %mul3A : i32
    %add3A = arith.addi %mul3A_0, %arg1 : i32
    %mul3A_1 = arith.constant 640 : i32
    %mul3A_2 = arith.muli %arg1, %mul3A_1 : i32
    %multiple_of3A = tpu.assume_multiple %mul3A_2, 640 : i32
    %scan3A = arith.constant 0 : i32
    %scan3A_3 = arith.constant 0 : i32
    %scan3A_4 = arith.constant 80 : i32
    %scan3A_5 = arith.addi %scan3A_3, %scan3A_4 : i32
    %scan3A_6 = arith.constant 1 : i32
    %scan3A_7 = scf.for %scan3A_59 = %scan3A_3 to %scan3A_5 step %scan3A_6 iter_args(%scan3A_60 = %scan3A) -> (i32)  : i32 {
      %scan3A_61 = arith.constant 0 : i32
      %scan3A_62 = arith.constant 0 : i32
      %broadcast_in_dim3A = arith.constant 0.000000e+00 : f32
      %broadcast_in_dim3A_63 = vector.broadcast %broadcast_in_dim3A : f32 to vector<16xf32>
      %mul3A_64 = arith.constant 16 : i32
      %mul3A_65 = arith.muli %scan3A_62, %mul3A_64 : i32
      %swap3A = arith.index_cast %scan3A_59 : i32 to index
      %swap3A_66 = arith.index_cast %mul3A_65 : i32 to index
      %swap3A_67 = tpu.vector_load %arg8[%swap3A, %swap3A_66] {strides = array<i32>} : memref<80x16xf32, #tpu.memory_space<vmem>>, vector<1x16xf32>,
      %swap3A_68 = vector.shape_cast %swap3A_67 : vector<1x16xf32> to vector<16xf32>
      %swap3A_69 = vector.shape_cast %broadcast_in_dim3A_63 : vector<16xf32> to vector<1x16xf32>
      tpu.vector_store %arg8[%swap3A, %swap3A_66], %swap3A_69 {strides = array<i32>} : memref<80x16xf32, #tpu.memory_space<vmem>>, vector<1x16xf32>,
      %scan3A_70 = arith.constant 0 : i32
      %scan3A_71 = arith.constant 1 : i32
      scf.yield %scan3A_70 : i32
    }
    %scan3A_8 = arith.constant 80 : i32
    %add3A_9 = arith.constant 0 : i32
    %add3A_10 = arith.addi %multiple_of3A, %add3A_9 : i32
    "tpu.region"() ({
      %run_scoped3A = tpu.sem_alloc : memref<!tpu.dma_semaphore, #tpu.memory_space<semaphore_mem>>
      %dma_start3A_59 = arith.constant 0 : i32
      %dma_start3A_60 = tpu.memref_slice %arg10[%add3A_10, %dma_start3A_59] : memref<10240x16xf32, #tpu.memory_space<vmem_shared>> -> memref<80x16xf32, #tpu.memory_space<vmem_shared>>
      %dma_start3A_61 = arith.constant 0 : i32
      %dma_start3A_62 = tpu.memref_slice %arg10[%add3A_10, %dma_start3A_61] : memref<10240x16xf32, #tpu.memory_space<vmem_shared>> -> memref<80x16xf32, #tpu.memory_space<vmem_shared>>
      tpu.enqueue_dma source(%arg8 : memref<80x16xf32, #tpu.memory_space<vmem>>) target(%dma_start3A_62 : memref<80x16xf32, #tpu.memory_space<vmem_shared>>) target_semaphore(%run_scoped3A : memref<!tpu.dma_semaphore, #tpu.memory_space<semaphore_mem>>)
      %dma_wait3A_63 = arith.constant 0 : i32
      %dma_wait3A_64 = tpu.memref_slice %arg10[%add3A_10, %dma_wait3A_63] : memref<10240x16xf32, #tpu.memory_space<vmem_shared>> -> memref<80x16xf32, #tpu.memory_space<vmem_shared>>
      %dma_wait3A_65 = arith.constant 0 : i32
      %dma_wait3A_66 = tpu.memref_slice %arg10[%add3A_10, %dma_wait3A_65] : memref<10240x16xf32, #tpu.memory_space<vmem_shared>> -> memref<80x16xf32, #tpu.memory_space<vmem_shared>>
      tpu.wait_dma2 semaphore(%run_scoped3A : memref<!tpu.dma_semaphore, #tpu.memory_space<semaphore_mem>>) src(%arg8 : memref<80x16xf32, #tpu.memory_space<vmem>>) dst(%dma_wait3A_66 : memref<80x16xf32, #tpu.memory_space<vmem_shared>>)
      tpu.yield
    }) : () -> ()
    %add3A_11 = arith.constant 80 : i32
    %add3A_12 = arith.addi %multiple_of3A, %add3A_11 : i32
    "tpu.region"() ({
      %run_scoped3A = tpu.sem_alloc : memref<!tpu.dma_semaphore, #tpu.memory_space<semaphore_mem>>
      %dma_start3A_59 = arith.constant 0 : i32
      %dma_start3A_60 = tpu.memref_slice %arg10[%add3A_12, %dma_start3A_59] : memref<10240x16xf32, #tpu.memory_space<vmem_shared>> -> memref<80x16xf32, #tpu.memory_space<vmem_shared>>
      %dma_start3A_61 = arith.constant 0 : i32
      %dma_start3A_62 = tpu.memref_slice %arg10[%add3A_12, %dma_start3A_61] : memref<10240x16xf32, #tpu.memory_space<vmem_shared>> -> memref<80x16xf32, #tpu.memory_space<vmem_shared>>
      tpu.enqueue_dma source(%arg8 : memref<80x16xf32, #tpu.memory_space<vmem>>) target(%dma_start3A_62 : memref<80x16xf32, #tpu.memory_space<vmem_shared>>) target_semaphore(%run_scoped3A : memref<!tpu.dma_semaphore, #tpu.memory_space<semaphore_mem>>)
      %dma_wait3A_63 = arith.constant 0 : i32
      %dma_wait3A_64 = tpu.memref_slice %arg10[%add3A_12, %dma_wait3A_63] : memref<10240x16xf32, #tpu.memory_space<vmem_shared>> -> memref<80x16xf32, #tpu.memory_space<vmem_shared>>
      %dma_wait3A_65 = arith.constant 0 : i32
      %dma_wait3A_66 = tpu.memref_slice %arg10[%add3A_12, %dma_wait3A_65] : memref<10240x16xf32, #tpu.memory_space<vmem_shared>> -> memref<80x16xf32, #tpu.memory_space<vmem_shared>>
      tpu.wait_dma2 semaphore(%run_scoped3A : memref<!tpu.dma_semaphore, #tpu.memory_space<semaphore_mem>>) src(%arg8 : memref<80x16xf32, #tpu.memory_space<vmem>>) dst(%dma_wait3A_66 : memref<80x16xf32, #tpu.memory_space<vmem_shared>>)
      tpu.yield
    }) : () -> ()
    %add3A_13 = arith.constant 160 : i32
    %add3A_14 = arith.addi %multiple_of3A, %add3A_13 : i32
    "tpu.region"() ({
      %run_scoped3A = tpu.sem_alloc : memref<!tpu.dma_semaphore, #tpu.memory_space<semaphore_mem>>
      %dma_start3A_59 = arith.constant 0 : i32
      %dma_start3A_60 = tpu.memref_slice %arg10[%add3A_14, %dma_start3A_59] : memref<10240x16xf32, #tpu.memory_space<vmem_shared>> -> memref<80x16xf32, #tpu.memory_space<vmem_shared>>
      %dma_start3A_61 = arith.constant 0 : i32
      %dma_start3A_62 = tpu.memref_slice %arg10[%add3A_14, %dma_start3A_61] : memref<10240x16xf32, #tpu.memory_space<vmem_shared>> -> memref<80x16xf32, #tpu.memory_space<vmem_shared>>
      tpu.enqueue_dma source(%arg8 : memref<80x16xf32, #tpu.memory_space<vmem>>) target(%dma_start3A_62 : memref<80x16xf32, #tpu.memory_space<vmem_shared>>) target_semaphore(%run_scoped3A : memref<!tpu.dma_semaphore, #tpu.memory_space<semaphore_mem>>)
      %dma_wait3A_63 = arith.constant 0 : i32
      %dma_wait3A_64 = tpu.memref_slice %arg10[%add3A_14, %dma_wait3A_63] : memref<10240x16xf32, #tpu.memory_space<vmem_shared>> -> memref<80x16xf32, #tpu.memory_space<vmem_shared>>
      %dma_wait3A_65 = arith.constant 0 : i32
      %dma_wait3A_66 = tpu.memref_slice %arg10[%add3A_14, %dma_wait3A_65] : memref<10240x16xf32, #tpu.memory_space<vmem_shared>> -> memref<80x16xf32, #tpu.memory_space<vmem_shared>>
      tpu.wait_dma2 semaphore(%run_scoped3A : memref<!tpu.dma_semaphore, #tpu.memory_space<semaphore_mem>>) src(%arg8 : memref<80x16xf32, #tpu.memory_space<vmem>>) dst(%dma_wait3A_66 : memref<80x16xf32, #tpu.memory_space<vmem_shared>>)
      tpu.yield
    }) : () -> ()
    %add3A_15 = arith.constant 240 : i32
    %add3A_16 = arith.addi %multiple_of3A, %add3A_15 : i32
    "tpu.region"() ({
      %run_scoped3A = tpu.sem_alloc : memref<!tpu.dma_semaphore, #tpu.memory_space<semaphore_mem>>
      %dma_start3A_59 = arith.constant 0 : i32
      %dma_start3A_60 = tpu.memref_slice %arg10[%add3A_16, %dma_start3A_59] : memref<10240x16xf32, #tpu.memory_space<vmem_shared>> -> memref<80x16xf32, #tpu.memory_space<vmem_shared>>
      %dma_start3A_61 = arith.constant 0 : i32
      %dma_start3A_62 = tpu.memref_slice %arg10[%add3A_16, %dma_start3A_61] : memref<10240x16xf32, #tpu.memory_space<vmem_shared>> -> memref<80x16xf32, #tpu.memory_space<vmem_shared>>
      tpu.enqueue_dma source(%arg8 : memref<80x16xf32, #tpu.memory_space<vmem>>) target(%dma_start3A_62 : memref<80x16xf32, #tpu.memory_space<vmem_shared>>) target_semaphore(%run_scoped3A : memref<!tpu.dma_semaphore, #tpu.memory_space<semaphore_mem>>)
      %dma_wait3A_63 = arith.constant 0 : i32
      %dma_wait3A_64 = tpu.memref_slice %arg10[%add3A_16, %dma_wait3A_63] : memref<10240x16xf32, #tpu.memory_space<vmem_shared>> -> memref<80x16xf32, #tpu.memory_space<vmem_shared>>
      %dma_wait3A_65 = arith.constant 0 : i32
      %dma_wait3A_66 = tpu.memref_slice %arg10[%add3A_16, %dma_wait3A_65] : memref<10240x16xf32, #tpu.memory_space<vmem_shared>> -> memref<80x16xf32, #tpu.memory_space<vmem_shared>>
      tpu.wait_dma2 semaphore(%run_scoped3A : memref<!tpu.dma_semaphore, #tpu.memory_space<semaphore_mem>>) src(%arg8 : memref<80x16xf32, #tpu.memory_space<vmem>>) dst(%dma_wait3A_66 : memref<80x16xf32, #tpu.memory_space<vmem_shared>>)
      tpu.yield
    }) : () -> ()
    %add3A_17 = arith.constant 320 : i32
    %add3A_18 = arith.addi %multiple_of3A, %add3A_17 : i32
    "tpu.region"() ({
      %run_scoped3A = tpu.sem_alloc : memref<!tpu.dma_semaphore, #tpu.memory_space<semaphore_mem>>
      %dma_start3A_59 = arith.constant 0 : i32
      %dma_start3A_60 = tpu.memref_slice %arg10[%add3A_18, %dma_start3A_59] : memref<10240x16xf32, #tpu.memory_space<vmem_shared>> -> memref<80x16xf32, #tpu.memory_space<vmem_shared>>
      %dma_start3A_61 = arith.constant 0 : i32
      %dma_start3A_62 = tpu.memref_slice %arg10[%add3A_18, %dma_start3A_61] : memref<10240x16xf32, #tpu.memory_space<vmem_shared>> -> memref<80x16xf32, #tpu.memory_space<vmem_shared>>
      tpu.enqueue_dma source(%arg8 : memref<80x16xf32, #tpu.memory_space<vmem>>) target(%dma_start3A_62 : memref<80x16xf32, #tpu.memory_space<vmem_shared>>) target_semaphore(%run_scoped3A : memref<!tpu.dma_semaphore, #tpu.memory_space<semaphore_mem>>)
      %dma_wait3A_63 = arith.constant 0 : i32
      %dma_wait3A_64 = tpu.memref_slice %arg10[%add3A_18, %dma_wait3A_63] : memref<10240x16xf32, #tpu.memory_space<vmem_shared>> -> memref<80x16xf32, #tpu.memory_space<vmem_shared>>
      %dma_wait3A_65 = arith.constant 0 : i32
      %dma_wait3A_66 = tpu.memref_slice %arg10[%add3A_18, %dma_wait3A_65] : memref<10240x16xf32, #tpu.memory_space<vmem_shared>> -> memref<80x16xf32, #tpu.memory_space<vmem_shared>>
      tpu.wait_dma2 semaphore(%run_scoped3A : memref<!tpu.dma_semaphore, #tpu.memory_space<semaphore_mem>>) src(%arg8 : memref<80x16xf32, #tpu.memory_space<vmem>>) dst(%dma_wait3A_66 : memref<80x16xf32, #tpu.memory_space<vmem_shared>>)
      tpu.yield
    }) : () -> ()
    %add3A_19 = arith.constant 400 : i32
    %add3A_20 = arith.addi %multiple_of3A, %add3A_19 : i32
    "tpu.region"() ({
      %run_scoped3A = tpu.sem_alloc : memref<!tpu.dma_semaphore, #tpu.memory_space<semaphore_mem>>
      %dma_start3A_59 = arith.constant 0 : i32
      %dma_start3A_60 = tpu.memref_slice %arg10[%add3A_20, %dma_start3A_59] : memref<10240x16xf32, #tpu.memory_space<vmem_shared>> -> memref<80x16xf32, #tpu.memory_space<vmem_shared>>
      %dma_start3A_61 = arith.constant 0 : i32
      %dma_start3A_62 = tpu.memref_slice %arg10[%add3A_20, %dma_start3A_61] : memref<10240x16xf32, #tpu.memory_space<vmem_shared>> -> memref<80x16xf32, #tpu.memory_space<vmem_shared>>
      tpu.enqueue_dma source(%arg8 : memref<80x16xf32, #tpu.memory_space<vmem>>) target(%dma_start3A_62 : memref<80x16xf32, #tpu.memory_space<vmem_shared>>) target_semaphore(%run_scoped3A : memref<!tpu.dma_semaphore, #tpu.memory_space<semaphore_mem>>)
      %dma_wait3A_63 = arith.constant 0 : i32
      %dma_wait3A_64 = tpu.memref_slice %arg10[%add3A_20, %dma_wait3A_63] : memref<10240x16xf32, #tpu.memory_space<vmem_shared>> -> memref<80x16xf32, #tpu.memory_space<vmem_shared>>
      %dma_wait3A_65 = arith.constant 0 : i32
      %dma_wait3A_66 = tpu.memref_slice %arg10[%add3A_20, %dma_wait3A_65] : memref<10240x16xf32, #tpu.memory_space<vmem_shared>> -> memref<80x16xf32, #tpu.memory_space<vmem_shared>>
      tpu.wait_dma2 semaphore(%run_scoped3A : memref<!tpu.dma_semaphore, #tpu.memory_space<semaphore_mem>>) src(%arg8 : memref<80x16xf32, #tpu.memory_space<vmem>>) dst(%dma_wait3A_66 : memref<80x16xf32, #tpu.memory_space<vmem_shared>>)
      tpu.yield
    }) : () -> ()
    %add3A_21 = arith.constant 480 : i32
    %add3A_22 = arith.addi %multiple_of3A, %add3A_21 : i32
    "tpu.region"() ({
      %run_scoped3A = tpu.sem_alloc : memref<!tpu.dma_semaphore, #tpu.memory_space<semaphore_mem>>
      %dma_start3A_59 = arith.constant 0 : i32
      %dma_start3A_60 = tpu.memref_slice %arg10[%add3A_22, %dma_start3A_59] : memref<10240x16xf32, #tpu.memory_space<vmem_shared>> -> memref<80x16xf32, #tpu.memory_space<vmem_shared>>
      %dma_start3A_61 = arith.constant 0 : i32
      %dma_start3A_62 = tpu.memref_slice %arg10[%add3A_22, %dma_start3A_61] : memref<10240x16xf32, #tpu.memory_space<vmem_shared>> -> memref<80x16xf32, #tpu.memory_space<vmem_shared>>
      tpu.enqueue_dma source(%arg8 : memref<80x16xf32, #tpu.memory_space<vmem>>) target(%dma_start3A_62 : memref<80x16xf32, #tpu.memory_space<vmem_shared>>) target_semaphore(%run_scoped3A : memref<!tpu.dma_semaphore, #tpu.memory_space<semaphore_mem>>)
      %dma_wait3A_63 = arith.constant 0 : i32
      %dma_wait3A_64 = tpu.memref_slice %arg10[%add3A_22, %dma_wait3A_63] : memref<10240x16xf32, #tpu.memory_space<vmem_shared>> -> memref<80x16xf32, #tpu.memory_space<vmem_shared>>
      %dma_wait3A_65 = arith.constant 0 : i32
      %dma_wait3A_66 = tpu.memref_slice %arg10[%add3A_22, %dma_wait3A_65] : memref<10240x16xf32, #tpu.memory_space<vmem_shared>> -> memref<80x16xf32, #tpu.memory_space<vmem_shared>>
      tpu.wait_dma2 semaphore(%run_scoped3A : memref<!tpu.dma_semaphore, #tpu.memory_space<semaphore_mem>>) src(%arg8 : memref<80x16xf32, #tpu.memory_space<vmem>>) dst(%dma_wait3A_66 : memref<80x16xf32, #tpu.memory_space<vmem_shared>>)
      tpu.yield
    }) : () -> ()
    %add3A_23 = arith.constant 560 : i32
    %add3A_24 = arith.addi %multiple_of3A, %add3A_23 : i32
    "tpu.region"() ({
      %run_scoped3A = tpu.sem_alloc : memref<!tpu.dma_semaphore, #tpu.memory_space<semaphore_mem>>
      %dma_start3A_59 = arith.constant 0 : i32
      %dma_start3A_60 = tpu.memref_slice %arg10[%add3A_24, %dma_start3A_59] : memref<10240x16xf32, #tpu.memory_space<vmem_shared>> -> memref<80x16xf32, #tpu.memory_space<vmem_shared>>
      %dma_start3A_61 = arith.constant 0 : i32
      %dma_start3A_62 = tpu.memref_slice %arg10[%add3A_24, %dma_start3A_61] : memref<10240x16xf32, #tpu.memory_space<vmem_shared>> -> memref<80x16xf32, #tpu.memory_space<vmem_shared>>
      tpu.enqueue_dma source(%arg8 : memref<80x16xf32, #tpu.memory_space<vmem>>) target(%dma_start3A_62 : memref<80x16xf32, #tpu.memory_space<vmem_shared>>) target_semaphore(%run_scoped3A : memref<!tpu.dma_semaphore, #tpu.memory_space<semaphore_mem>>)
      %dma_wait3A_63 = arith.constant 0 : i32
      %dma_wait3A_64 = tpu.memref_slice %arg10[%add3A_24, %dma_wait3A_63] : memref<10240x16xf32, #tpu.memory_space<vmem_shared>> -> memref<80x16xf32, #tpu.memory_space<vmem_shared>>
      %dma_wait3A_65 = arith.constant 0 : i32
      %dma_wait3A_66 = tpu.memref_slice %arg10[%add3A_24, %dma_wait3A_65] : memref<10240x16xf32, #tpu.memory_space<vmem_shared>> -> memref<80x16xf32, #tpu.memory_space<vmem_shared>>
      tpu.wait_dma2 semaphore(%run_scoped3A : memref<!tpu.dma_semaphore, #tpu.memory_space<semaphore_mem>>) src(%arg8 : memref<80x16xf32, #tpu.memory_space<vmem>>) dst(%dma_wait3A_66 : memref<80x16xf32, #tpu.memory_space<vmem_shared>>)
      tpu.yield
    }) : () -> ()
    "tpu.region"() ({
      %run_scoped3A = tpu.sem_alloc : memref<!tpu.dma_semaphore, #tpu.memory_space<semaphore_mem>>
      %dma_start3A_59 = arith.constant 0 : i32
      %dma_start3A_60 = arith.constant 0 : i32
      %dma_start3A_61 = tpu.memref_slice %arg3[%add3A, %dma_start3A_59, %dma_start3A_60] : memref<32x128x80xi32, #tpu.memory_space<hbm>> -> memref<1x128x80xi32, #tpu.memory_space<hbm>>
      %dma_start3A_62 = tpu.memref_squeeze %dma_start3A_61 : memref<1x128x80xi32, #tpu.memory_space<hbm>> -> memref<128x80xi32, #tpu.memory_space<hbm>>
      %dma_start3A_63 = arith.constant 0 : i32
      %dma_start3A_64 = arith.constant 0 : i32
      %dma_start3A_65 = tpu.memref_slice %arg3[%add3A, %dma_start3A_63, %dma_start3A_64] : memref<32x128x80xi32, #tpu.memory_space<hbm>> -> memref<1x128x80xi32, #tpu.memory_space<hbm>>
      %dma_start3A_66 = tpu.memref_squeeze %dma_start3A_65 : memref<1x128x80xi32, #tpu.memory_space<hbm>> -> memref<128x80xi32, #tpu.memory_space<hbm>>
      tpu.enqueue_dma source(%dma_start3A_66 : memref<128x80xi32, #tpu.memory_space<hbm>>) target(%arg6 : memref<128x80xi32, #tpu.memory_space<vmem>>) target_semaphore(%run_scoped3A : memref<!tpu.dma_semaphore, #tpu.memory_space<semaphore_mem>>)
      %dma_wait3A_67 = arith.constant 0 : i32
      %dma_wait3A_68 = arith.constant 0 : i32
      %dma_wait3A_69 = tpu.memref_slice %arg3[%add3A, %dma_wait3A_67, %dma_wait3A_68] : memref<32x128x80xi32, #tpu.memory_space<hbm>> -> memref<1x128x80xi32, #tpu.memory_space<hbm>>
      %dma_wait3A_70 = tpu.memref_squeeze %dma_wait3A_69 : memref<1x128x80xi32, #tpu.memory_space<hbm>> -> memref<128x80xi32, #tpu.memory_space<hbm>>
      %dma_wait3A_71 = arith.constant 0 : i32
      %dma_wait3A_72 = arith.constant 0 : i32
      %dma_wait3A_73 = tpu.memref_slice %arg3[%add3A, %dma_wait3A_71, %dma_wait3A_72] : memref<32x128x80xi32, #tpu.memory_space<hbm>> -> memref<1x128x80xi32, #tpu.memory_space<hbm>>
      %dma_wait3A_74 = tpu.memref_squeeze %dma_wait3A_73 : memref<1x128x80xi32, #tpu.memory_space<hbm>> -> memref<128x80xi32, #tpu.memory_space<hbm>>
      tpu.wait_dma2 semaphore(%run_scoped3A : memref<!tpu.dma_semaphore, #tpu.memory_space<semaphore_mem>>) src(%dma_wait3A_74 : memref<128x80xi32, #tpu.memory_space<hbm>>) dst(%arg6 : memref<128x80xi32, #tpu.memory_space<vmem>>)
      tpu.yield
    }) : () -> ()
    "tpu.region"() ({
      %run_scoped3A = tpu.sem_alloc : memref<!tpu.dma_semaphore, #tpu.memory_space<semaphore_mem>>
      %dma_start3A_59 = arith.constant 0 : i32
      %dma_start3A_60 = arith.constant 0 : i32
      %dma_start3A_61 = tpu.memref_slice %arg4[%add3A, %dma_start3A_59, %dma_start3A_60] : memref<32x126x80xi32, #tpu.memory_space<hbm>> -> memref<1x126x80xi32, #tpu.memory_space<hbm>>
      %dma_start3A_62 = tpu.memref_squeeze %dma_start3A_61 : memref<1x126x80xi32, #tpu.memory_space<hbm>> -> memref<126x80xi32, #tpu.memory_space<hbm>>
      %dma_start3A_63 = arith.constant 0 : i32
      %dma_start3A_64 = arith.constant 0 : i32
      %dma_start3A_65 = tpu.memref_slice %arg4[%add3A, %dma_start3A_63, %dma_start3A_64] : memref<32x126x80xi32, #tpu.memory_space<hbm>> -> memref<1x126x80xi32, #tpu.memory_space<hbm>>
      %dma_start3A_66 = tpu.memref_squeeze %dma_start3A_65 : memref<1x126x80xi32, #tpu.memory_space<hbm>> -> memref<126x80xi32, #tpu.memory_space<hbm>>
      tpu.enqueue_dma source(%dma_start3A_66 : memref<126x80xi32, #tpu.memory_space<hbm>>) target(%arg7 : memref<126x80xi32, #tpu.memory_space<vmem>>) target_semaphore(%run_scoped3A : memref<!tpu.dma_semaphore, #tpu.memory_space<semaphore_mem>>)
      %dma_wait3A_67 = arith.constant 0 : i32
      %dma_wait3A_68 = arith.constant 0 : i32
      %dma_wait3A_69 = tpu.memref_slice %arg4[%add3A, %dma_wait3A_67, %dma_wait3A_68] : memref<32x126x80xi32, #tpu.memory_space<hbm>> -> memref<1x126x80xi32, #tpu.memory_space<hbm>>
      %dma_wait3A_70 = tpu.memref_squeeze %dma_wait3A_69 : memref<1x126x80xi32, #tpu.memory_space<hbm>> -> memref<126x80xi32, #tpu.memory_space<hbm>>
      %dma_wait3A_71 = arith.constant 0 : i32
      %dma_wait3A_72 = arith.constant 0 : i32
      %dma_wait3A_73 = tpu.memref_slice %arg4[%add3A, %dma_wait3A_71, %dma_wait3A_72] : memref<32x126x80xi32, #tpu.memory_space<hbm>> -> memref<1x126x80xi32, #tpu.memory_space<hbm>>
      %dma_wait3A_74 = tpu.memref_squeeze %dma_wait3A_73 : memref<1x126x80xi32, #tpu.memory_space<hbm>> -> memref<126x80xi32, #tpu.memory_space<hbm>>
      tpu.wait_dma2 semaphore(%run_scoped3A : memref<!tpu.dma_semaphore, #tpu.memory_space<semaphore_mem>>) src(%dma_wait3A_74 : memref<126x80xi32, #tpu.memory_space<hbm>>) dst(%arg7 : memref<126x80xi32, #tpu.memory_space<vmem>>)
      tpu.yield
    }) : () -> ()
    %barrier3A = arith.constant 0 : index
    tpu.barrier barrier_id(%barrier3A)
    %dma_start3A = arith.constant 0 : i32
    %dma_start3A_25 = arith.constant 0 : i32
    %dma_start3A_26 = tpu.memref_slice %arg6[%dma_start3A, %dma_start3A_25] : memref<128x80xi32, #tpu.memory_space<vmem>> -> memref<1x80xi32, #tpu.memory_space<vmem>>
    %dma_start3A_27 = tpu.memref_squeeze %dma_start3A_26 : memref<1x80xi32, #tpu.memory_space<vmem>> -> memref<80xi32, #tpu.memory_space<vmem>>
    %dma_start3A_28 = arith.constant 0 : i32
    %dma_start3A_29 = arith.constant 0 : i32
    %dma_start3A_30 = tpu.memref_slice %arg2[%dma_start3A_28, %dma_start3A_29] : memref<10240x16xf32, #tpu.memory_space<hbm>> -> memref<10240x16xf32, #tpu.memory_space<hbm>>
    tpu.enqueue_indirect_dma source(%dma_start3A_30 : memref<10240x16xf32, #tpu.memory_space<hbm>>) target(%arg8 : memref<80x16xf32, #tpu.memory_space<vmem>>) offsets(%dma_start3A_27 : memref<80xi32, #tpu.memory_space<vmem>>) semaphore(%arg11 : memref<!tpu.dma_semaphore, #tpu.memory_space<semaphore_mem>>)
    %dma_start3A_31 = arith.constant 1 : i32
    %dma_start3A_32 = arith.constant 0 : i32
    %dma_start3A_33 = tpu.memref_slice %arg6[%dma_start3A_31, %dma_start3A_32] : memref<128x80xi32, #tpu.memory_space<vmem>> -> memref<1x80xi32, #tpu.memory_space<vmem>>
    %dma_start3A_34 = tpu.memref_squeeze %dma_start3A_33 : memref<1x80xi32, #tpu.memory_space<vmem>> -> memref<80xi32, #tpu.memory_space<vmem>>
    %dma_start3A_35 = arith.constant 0 : i32
    %dma_start3A_36 = arith.constant 0 : i32
    %dma_start3A_37 = tpu.memref_slice %arg2[%dma_start3A_35, %dma_start3A_36] : memref<10240x16xf32, #tpu.memory_space<hbm>> -> memref<10240x16xf32, #tpu.memory_space<hbm>>
    tpu.enqueue_indirect_dma source(%dma_start3A_37 : memref<10240x16xf32, #tpu.memory_space<hbm>>) target(%arg9 : memref<80x16xf32, #tpu.memory_space<vmem>>) offsets(%dma_start3A_34 : memref<80xi32, #tpu.memory_space<vmem>>) semaphore(%arg12 : memref<!tpu.dma_semaphore, #tpu.memory_space<semaphore_mem>>)
    %scan3A_38 = arith.constant 0 : i32
    %scan3A_39 = arith.constant 0 : i32
    %scan3A_40 = arith.constant 63 : i32
    %scan3A_41 = arith.addi %scan3A_39, %scan3A_40 : i32
    %scan3A_42 = arith.constant 1 : i32
    %scan3A_43 = scf.for %scan3A_59 = %scan3A_39 to %scan3A_41 step %scan3A_42 iter_args(%scan3A_60 = %scan3A_38) -> (i32)  : i32 {
      %mul3A_61 = arith.constant 2 : i32
      %mul3A_62 = arith.muli %mul3A_61, %scan3A_59 : i32
      %dma_wait3A_63 = arith.constant 0 : i32
      %dma_wait3A_64 = tpu.memref_slice %arg6[%mul3A_62, %dma_wait3A_63] : memref<128x80xi32, #tpu.memory_space<vmem>> -> memref<1x80xi32, #tpu.memory_space<vmem>>
      %dma_wait3A_65 = tpu.memref_squeeze %dma_wait3A_64 : memref<1x80xi32, #tpu.memory_space<vmem>> -> memref<80xi32, #tpu.memory_space<vmem>>
      %dma_wait3A_66 = arith.constant 0 : i32
      %dma_wait3A_67 = arith.constant 0 : i32
      %dma_wait3A_68 = tpu.memref_slice %arg2[%dma_wait3A_66, %dma_wait3A_67] : memref<10240x16xf32, #tpu.memory_space<hbm>> -> memref<10240x16xf32, #tpu.memory_space<hbm>>
      tpu.wait_indirect_dma semaphore(%arg11 : memref<!tpu.dma_semaphore, #tpu.memory_space<semaphore_mem>>) src(%dma_wait3A_68 : memref<10240x16xf32, #tpu.memory_space<hbm>>) dst(%arg8 : memref<80x16xf32, #tpu.memory_space<vmem>>)
      "tpu.region"() ({
        %run_scoped3A = tpu.sem_alloc : memref<!tpu.dma_semaphore, #tpu.memory_space<semaphore_mem>>
        %dma_start3A_96 = arith.constant 0 : i32
        %dma_start3A_97 = tpu.memref_slice %arg7[%mul3A_62, %dma_start3A_96] : memref<126x80xi32, #tpu.memory_space<vmem>> -> memref<1x80xi32, #tpu.memory_space<vmem>>
        %dma_start3A_98 = tpu.memref_squeeze %dma_start3A_97 : memref<1x80xi32, #tpu.memory_space<vmem>> -> memref<80xi32, #tpu.memory_space<vmem>>
        %dma_start3A_99 = arith.constant 0 : i32
        %dma_start3A_100 = arith.constant 0 : i32
        %dma_start3A_101 = tpu.memref_slice %arg10[%dma_start3A_99, %dma_start3A_100] : memref<10240x16xf32, #tpu.memory_space<vmem_shared>> -> memref<10240x16xf32, #tpu.memory_space<vmem_shared>>
        tpu.enqueue_indirect_dma source(%arg8 : memref<80x16xf32, #tpu.memory_space<vmem>>) target(%dma_start3A_101 : memref<10240x16xf32, #tpu.memory_space<vmem_shared>>) offsets(%dma_start3A_98 : memref<80xi32, #tpu.memory_space<vmem>>) semaphore(%run_scoped3A : memref<!tpu.dma_semaphore, #tpu.memory_space<semaphore_mem>>) {add = true}
        %dma_wait3A_102 = arith.constant 0 : i32
        %dma_wait3A_103 = tpu.memref_slice %arg7[%mul3A_62, %dma_wait3A_102] : memref<126x80xi32, #tpu.memory_space<vmem>> -> memref<1x80xi32, #tpu.memory_space<vmem>>
        %dma_wait3A_104 = tpu.memref_squeeze %dma_wait3A_103 : memref<1x80xi32, #tpu.memory_space<vmem>> -> memref<80xi32, #tpu.memory_space<vmem>>
        %dma_wait3A_105 = arith.constant 0 : i32
        %dma_wait3A_106 = arith.constant 0 : i32
        %dma_wait3A_107 = tpu.memref_slice %arg10[%dma_wait3A_105, %dma_wait3A_106] : memref<10240x16xf32, #tpu.memory_space<vmem_shared>> -> memref<10240x16xf32, #tpu.memory_space<vmem_shared>>
        tpu.wait_indirect_dma semaphore(%run_scoped3A : memref<!tpu.dma_semaphore, #tpu.memory_space<semaphore_mem>>) src(%arg8 : memref<80x16xf32, #tpu.memory_space<vmem>>) dst(%dma_wait3A_107 : memref<10240x16xf32, #tpu.memory_space<vmem_shared>>)
        tpu.yield
      }) : () -> ()
      %add3A_69 = arith.constant 2 : i32
      %add3A_70 = arith.addi %mul3A_62, %add3A_69 : i32
      %dma_start3A_71 = arith.constant 0 : i32
      %dma_start3A_72 = tpu.memref_slice %arg6[%add3A_70, %dma_start3A_71] : memref<128x80xi32, #tpu.memory_space<vmem>> -> memref<1x80xi32, #tpu.memory_space<vmem>>
      %dma_start3A_73 = tpu.memref_squeeze %dma_start3A_72 : memref<1x80xi32, #tpu.memory_space<vmem>> -> memref<80xi32, #tpu.memory_space<vmem>>
      %dma_start3A_74 = arith.constant 0 : i32
      %dma_start3A_75 = arith.constant 0 : i32
      %dma_start3A_76 = tpu.memref_slice %arg2[%dma_start3A_74, %dma_start3A_75] : memref<10240x16xf32, #tpu.memory_space<hbm>> -> memref<10240x16xf32, #tpu.memory_space<hbm>>
      tpu.enqueue_indirect_dma source(%dma_start3A_76 : memref<10240x16xf32, #tpu.memory_space<hbm>>) target(%arg8 : memref<80x16xf32, #tpu.memory_space<vmem>>) offsets(%dma_start3A_73 : memref<80xi32, #tpu.memory_space<vmem>>) semaphore(%arg11 : memref<!tpu.dma_semaphore, #tpu.memory_space<semaphore_mem>>)
      %mul3A_77 = arith.constant 2 : i32
      %mul3A_78 = arith.muli %mul3A_77, %scan3A_59 : i32
      %add3A_79 = arith.constant 1 : i32
      %add3A_80 = arith.addi %mul3A_78, %add3A_79 : i32
      %dma_wait3A_81 = arith.constant 0 : i32
      %dma_wait3A_82 = tpu.memref_slice %arg6[%add3A_80, %dma_wait3A_81] : memref<128x80xi32, #tpu.memory_space<vmem>> -> memref<1x80xi32, #tpu.memory_space<vmem>>
      %dma_wait3A_83 = tpu.memref_squeeze %dma_wait3A_82 : memref<1x80xi32, #tpu.memory_space<vmem>> -> memref<80xi32, #tpu.memory_space<vmem>>
      %dma_wait3A_84 = arith.constant 0 : i32
      %dma_wait3A_85 = arith.constant 0 : i32
      %dma_wait3A_86 = tpu.memref_slice %arg2[%dma_wait3A_84, %dma_wait3A_85] : memref<10240x16xf32, #tpu.memory_space<hbm>> -> memref<10240x16xf32, #tpu.memory_space<hbm>>
      tpu.wait_indirect_dma semaphore(%arg12 : memref<!tpu.dma_semaphore, #tpu.memory_space<semaphore_mem>>) src(%dma_wait3A_86 : memref<10240x16xf32, #tpu.memory_space<hbm>>) dst(%arg9 : memref<80x16xf32, #tpu.memory_space<vmem>>)
      "tpu.region"() ({
        %run_scoped3A = tpu.sem_alloc : memref<!tpu.dma_semaphore, #tpu.memory_space<semaphore_mem>>
        %dma_start3A_96 = arith.constant 0 : i32
        %dma_start3A_97 = tpu.memref_slice %arg7[%add3A_80, %dma_start3A_96] : memref<126x80xi32, #tpu.memory_space<vmem>> -> memref<1x80xi32, #tpu.memory_space<vmem>>
        %dma_start3A_98 = tpu.memref_squeeze %dma_start3A_97 : memref<1x80xi32, #tpu.memory_space<vmem>> -> memref<80xi32, #tpu.memory_space<vmem>>
        %dma_start3A_99 = arith.constant 0 : i32
        %dma_start3A_100 = arith.constant 0 : i32
        %dma_start3A_101 = tpu.memref_slice %arg10[%dma_start3A_99, %dma_start3A_100] : memref<10240x16xf32, #tpu.memory_space<vmem_shared>> -> memref<10240x16xf32, #tpu.memory_space<vmem_shared>>
        tpu.enqueue_indirect_dma source(%arg9 : memref<80x16xf32, #tpu.memory_space<vmem>>) target(%dma_start3A_101 : memref<10240x16xf32, #tpu.memory_space<vmem_shared>>) offsets(%dma_start3A_98 : memref<80xi32, #tpu.memory_space<vmem>>) semaphore(%run_scoped3A : memref<!tpu.dma_semaphore, #tpu.memory_space<semaphore_mem>>) {add = true}
        %dma_wait3A_102 = arith.constant 0 : i32
        %dma_wait3A_103 = tpu.memref_slice %arg7[%add3A_80, %dma_wait3A_102] : memref<126x80xi32, #tpu.memory_space<vmem>> -> memref<1x80xi32, #tpu.memory_space<vmem>>
        %dma_wait3A_104 = tpu.memref_squeeze %dma_wait3A_103 : memref<1x80xi32, #tpu.memory_space<vmem>> -> memref<80xi32, #tpu.memory_space<vmem>>
        %dma_wait3A_105 = arith.constant 0 : i32
        %dma_wait3A_106 = arith.constant 0 : i32
        %dma_wait3A_107 = tpu.memref_slice %arg10[%dma_wait3A_105, %dma_wait3A_106] : memref<10240x16xf32, #tpu.memory_space<vmem_shared>> -> memref<10240x16xf32, #tpu.memory_space<vmem_shared>>
        tpu.wait_indirect_dma semaphore(%run_scoped3A : memref<!tpu.dma_semaphore, #tpu.memory_space<semaphore_mem>>) src(%arg9 : memref<80x16xf32, #tpu.memory_space<vmem>>) dst(%dma_wait3A_107 : memref<10240x16xf32, #tpu.memory_space<vmem_shared>>)
        tpu.yield
      }) : () -> ()
      %add3A_87 = arith.constant 2 : i32
      %add3A_88 = arith.addi %add3A_80, %add3A_87 : i32
      %dma_start3A_89 = arith.constant 0 : i32
      %dma_start3A_90 = tpu.memref_slice %arg6[%add3A_88, %dma_start3A_89] : memref<128x80xi32, #tpu.memory_space<vmem>> -> memref<1x80xi32, #tpu.memory_space<vmem>>
      %dma_start3A_91 = tpu.memref_squeeze %dma_start3A_90 : memref<1x80xi32, #tpu.memory_space<vmem>> -> memref<80xi32, #tpu.memory_space<vmem>>
      %dma_start3A_92 = arith.constant 0 : i32
      %dma_start3A_93 = arith.constant 0 : i32
      %dma_start3A_94 = tpu.memref_slice %arg2[%dma_start3A_92, %dma_start3A_93] : memref<10240x16xf32, #tpu.memory_space<hbm>> -> memref<10240x16xf32, #tpu.memory_space<hbm>>
      tpu.enqueue_indirect_dma source(%dma_start3A_94 : memref<10240x16xf32, #tpu.memory_space<hbm>>) target(%arg9 : memref<80x16xf32, #tpu.memory_space<vmem>>) offsets(%dma_start3A_91 : memref<80xi32, #tpu.memory_space<vmem>>) semaphore(%arg12 : memref<!tpu.dma_semaphore, #tpu.memory_space<semaphore_mem>>)
      %scan3A_95 = arith.constant 0 : i32
      scf.yield %scan3A_95 : i32
    }
    %scan3A_44 = arith.constant 63 : i32
    %dma_wait3A = arith.constant 0 : i32
    %dma_wait3A_45 = arith.constant 0 : i32
    %dma_wait3A_46 = tpu.memref_slice %arg6[%dma_wait3A, %dma_wait3A_45] : memref<128x80xi32, #tpu.memory_space<vmem>> -> memref<1x80xi32, #tpu.memory_space<vmem>>
    %dma_wait3A_47 = tpu.memref_squeeze %dma_wait3A_46 : memref<1x80xi32, #tpu.memory_space<vmem>> -> memref<80xi32, #tpu.memory_space<vmem>>
    %dma_wait3A_48 = arith.constant 0 : i32
    %dma_wait3A_49 = arith.constant 0 : i32
    %dma_wait3A_50 = tpu.memref_slice %arg2[%dma_wait3A_48, %dma_wait3A_49] : memref<10240x16xf32, #tpu.memory_space<hbm>> -> memref<10240x16xf32, #tpu.memory_space<hbm>>
    tpu.wait_indirect_dma semaphore(%arg11 : memref<!tpu.dma_semaphore, #tpu.memory_space<semaphore_mem>>) src(%dma_wait3A_50 : memref<10240x16xf32, #tpu.memory_space<hbm>>) dst(%arg8 : memref<80x16xf32, #tpu.memory_space<vmem>>)
    %dma_wait3A_51 = arith.constant 0 : i32
    %dma_wait3A_52 = arith.constant 0 : i32
    %dma_wait3A_53 = tpu.memref_slice %arg6[%dma_wait3A_51, %dma_wait3A_52] : memref<128x80xi32, #tpu.memory_space<vmem>> -> memref<1x80xi32, #tpu.memory_space<vmem>>
    %dma_wait3A_54 = tpu.memref_squeeze %dma_wait3A_53 : memref<1x80xi32, #tpu.memory_space<vmem>> -> memref<80xi32, #tpu.memory_space<vmem>>
    %dma_wait3A_55 = arith.constant 0 : i32
    %dma_wait3A_56 = arith.constant 0 : i32
    %dma_wait3A_57 = tpu.memref_slice %arg2[%dma_wait3A_55, %dma_wait3A_56] : memref<10240x16xf32, #tpu.memory_space<hbm>> -> memref<10240x16xf32, #tpu.memory_space<hbm>>
    tpu.wait_indirect_dma semaphore(%arg12 : memref<!tpu.dma_semaphore, #tpu.memory_space<semaphore_mem>>) src(%dma_wait3A_57 : memref<10240x16xf32, #tpu.memory_space<hbm>>) dst(%arg9 : memref<80x16xf32, #tpu.memory_space<vmem>>)
    %barrier3A_58 = arith.constant 0 : index
    tpu.barrier barrier_id(%barrier3A_58)
    "tpu.region"() ({
      %run_scoped3A = tpu.sem_alloc : memref<!tpu.dma_semaphore, #tpu.memory_space<semaphore_mem>>
      %dma_start3A_59 = arith.constant 0 : i32
      %dma_start3A_60 = tpu.memref_slice %arg5[%arg0, %multiple_of3A, %dma_start3A_59] : memref<2x10240x16xf32, #tpu.memory_space<hbm>> -> memref<1x640x16xf32, #tpu.memory_space<hbm>>
      %dma_start3A_61 = tpu.memref_squeeze %dma_start3A_60 : memref<1x640x16xf32, #tpu.memory_space<hbm>> -> memref<640x16xf32, #tpu.memory_space<hbm>>
      %dma_start3A_62 = arith.constant 0 : i32
      %dma_start3A_63 = tpu.memref_slice %arg10[%multiple_of3A, %dma_start3A_62] : memref<10240x16xf32, #tpu.memory_space<vmem_shared>> -> memref<640x16xf32, #tpu.memory_space<vmem_shared>>
      tpu.enqueue_dma source(%dma_start3A_63 : memref<640x16xf32, #tpu.memory_space<vmem_shared>>) target(%dma_start3A_61 : memref<640x16xf32, #tpu.memory_space<hbm>>) target_semaphore(%run_scoped3A : memref<!tpu.dma_semaphore, #tpu.memory_space<semaphore_mem>>)
      %dma_wait3A_64 = arith.constant 0 : i32
      %dma_wait3A_65 = tpu.memref_slice %arg5[%arg0, %multiple_of3A, %dma_wait3A_64] : memref<2x10240x16xf32, #tpu.memory_space<hbm>> -> memref<1x640x16xf32, #tpu.memory_space<hbm>>
      %dma_wait3A_66 = tpu.memref_squeeze %dma_wait3A_65 : memref<1x640x16xf32, #tpu.memory_space<hbm>> -> memref<640x16xf32, #tpu.memory_space<hbm>>
      %dma_wait3A_67 = arith.constant 0 : i32
      %dma_wait3A_68 = tpu.memref_slice %arg10[%multiple_of3A, %dma_wait3A_67] : memref<10240x16xf32, #tpu.memory_space<vmem_shared>> -> memref<640x16xf32, #tpu.memory_space<vmem_shared>>
      tpu.wait_dma2 semaphore(%run_scoped3A : memref<!tpu.dma_semaphore, #tpu.memory_space<semaphore_mem>>) src(%dma_wait3A_68 : memref<640x16xf32, #tpu.memory_space<vmem_shared>>) dst(%dma_wait3A_66 : memref<640x16xf32, #tpu.memory_space<hbm>>)
      tpu.yield
    }) : () -> ()
    return
  }
}

module attributes {stable_mosaic.version = 14 : i64} {
  func.func @body(%arg0: i32, %arg1: memref<2x1024x80xf32, #tpu.memory_space<vmem>>, %arg2: memref<1024x80xf32, #tpu.memory_space<vmem>>, %arg3: memref<1024x80xf32, #tpu.memory_space<vmem>>, %arg4: memref<128x256xf32, #tpu.memory_space<vmem>>, %arg5: memref<128x256xf32, #tpu.memory_space<vmem>>, %arg6: memref<1x256xf32, #tpu.memory_space<vmem>>, %arg7: memref<256x16xf32, #tpu.memory_space<vmem>>, %arg8: memref<256x16xf32, #tpu.memory_space<vmem>>, %arg9: memref<1x16xf32, #tpu.memory_space<vmem>>, %arg10: memref<1024x16xf32, #tpu.memory_space<vmem>>, %arg11: memref<1024x16xf32, #tpu.memory_space<vmem>>, %arg12: memref<1024x16xf32, #tpu.memory_space<vmem>>) attributes {dimension_semantics = [#tpu.dimension_semantics<arbitrary>], iteration_bounds = array<i64: 10>, scalar_prefetch = 0 : i64, scratch_operands = 0 : i64, tpu.core_type = #tpu.core_type<tc>, window_params = [{transform_indices = @transform_0, window_bounds = array<i64: 2, 1024, 80>}, {transform_indices = @transform_1, window_bounds = array<i64: 1024, 80>}, {transform_indices = @transform_2, window_bounds = array<i64: 1024, 80>}, {pipeline_mode = #tpu.pipeline_mode<synchronous>, transform_indices = @transform_3, window_bounds = array<i64: 128, 256>}, {pipeline_mode = #tpu.pipeline_mode<synchronous>, transform_indices = @transform_4, window_bounds = array<i64: 128, 256>}, {pipeline_mode = #tpu.pipeline_mode<synchronous>, transform_indices = @transform_5, window_bounds = array<i64: 1, 256>}, {pipeline_mode = #tpu.pipeline_mode<synchronous>, transform_indices = @transform_6, window_bounds = array<i64: 256, 16>}, {pipeline_mode = #tpu.pipeline_mode<synchronous>, transform_indices = @transform_7, window_bounds = array<i64: 256, 16>}, {pipeline_mode = #tpu.pipeline_mode<synchronous>, transform_indices = @transform_8, window_bounds = array<i64: 1, 16>}, {transform_indices = @transform_9, window_bounds = array<i64: 1024, 16>}, {transform_indices = @transform_10, window_bounds = array<i64: 1024, 16>}, {transform_indices = @transform_11, window_bounds = array<i64: 1024, 16>}]} {
    %get3A = arith.constant 0 : index
    %get3A_0 = arith.constant 0 : index
    %get3A_1 = arith.constant 0 : index
    %get3A_2 = vector.load %arg1[%get3A, %get3A_0, %get3A_1] : memref<2x1024x80xf32, #tpu.memory_space<vmem>>, vector<1x1024x80xf32>
    %get3A_3 = vector.shape_cast %get3A_2 : vector<1x1024x80xf32> to vector<1024x80xf32>
    %get3A_4 = arith.constant 1 : index
    %get3A_5 = arith.constant 0 : index
    %get3A_6 = arith.constant 0 : index
    %get3A_7 = vector.load %arg1[%get3A_4, %get3A_5, %get3A_6] : memref<2x1024x80xf32, #tpu.memory_space<vmem>>, vector<1x1024x80xf32>
    %get3A_8 = vector.shape_cast %get3A_7 : vector<1x1024x80xf32> to vector<1024x80xf32>
    %slice3A = vector.extract_strided_slice %get3A_8 {offsets = [0, 48], sizes = [1024, 1], strides = [1, 1]} : vector<1024x80xf32> to vector<1024x1xf32>
    %max3A = arith.constant 1.000000e+00 : f32
    %max3A_9 = vector.broadcast %max3A : f32 to vector<1024x1xf32>
    %max3A_10 = arith.maximumf %slice3A, %max3A_9 : vector<1024x1xf32>
    %div3A = arith.constant 1.000000e+00 : f32
    %div3A_11 = vector.broadcast %div3A : f32 to vector<1024x1xf32>
    %div3A_12 = arith.divf %div3A_11, %max3A_10 : vector<1024x1xf32>
    %slice3A_13 = vector.extract_strided_slice %get3A_8 {offsets = [0, 0], sizes = [1024, 48], strides = [1, 1]} : vector<1024x80xf32> to vector<1024x48xf32>
    %concatenate3A = tpu.concatenate %get3A_3, %slice3A_13 in 1 : vector<1024x80xf32>, vector<1024x48xf32> -> vector<1024x128xf32>
    %mul3A = vector.broadcast %div3A_12 : vector<1024x1xf32> to vector<1024x128xf32>
    %mul3A_14 = arith.mulf %concatenate3A, %mul3A : vector<1024x128xf32>
    %get3A_15 = arith.constant 0 : index
    %get3A_16 = arith.constant 0 : index
    %get3A_17 = vector.load %arg2[%get3A_15, %get3A_16] : memref<1024x80xf32, #tpu.memory_space<vmem>>, vector<1024x80xf32>
    %get3A_18 = arith.constant 0 : index
    %get3A_19 = arith.constant 0 : index
    %get3A_20 = vector.load %arg3[%get3A_18, %get3A_19] : memref<1024x80xf32, #tpu.memory_space<vmem>>, vector<1024x80xf32>
    %slice3A_21 = vector.extract_strided_slice %get3A_20 {offsets = [0, 0], sizes = [1024, 48], strides = [1, 1]} : vector<1024x80xf32> to vector<1024x48xf32>
    %concatenate3A_22 = tpu.concatenate %get3A_17, %slice3A_21 in 1 : vector<1024x80xf32>, vector<1024x48xf32> -> vector<1024x128xf32>
    %get3A_23 = arith.constant 0 : index
    %get3A_24 = arith.constant 0 : index
    %get3A_25 = vector.load %arg4[%get3A_23, %get3A_24] : memref<128x256xf32, #tpu.memory_space<vmem>>, vector<128x256xf32>
    %dot_general3A = arith.constant dense<0.000000e+00> : vector<1024x256xf32>
    %dot_general3A_26 = tpu.matmul %mul3A_14, %get3A_25, %dot_general3A {dimension_numbers = #tpu.dot_dimension_numbers<[1], [0], [0], [1], [0, 0, 1, 1], [], []>, transpose_lhs_hint = false} : vector<1024x128xf32>, vector<128x256xf32>, vector<1024x256xf32> -> vector<1024x256xf32>
    %get3A_27 = arith.constant 0 : index
    %get3A_28 = arith.constant 0 : index
    %get3A_29 = vector.load %arg6[%get3A_27, %get3A_28] : memref<1x256xf32, #tpu.memory_space<vmem>>, vector<1x256xf32>
    %add3A = vector.broadcast %get3A_29 : vector<1x256xf32> to vector<1024x256xf32>
    %add3A_30 = arith.addf %dot_general3A_26, %add3A : vector<1024x256xf32>
    %get3A_31 = arith.constant 0 : index
    %get3A_32 = arith.constant 0 : index
    %get3A_33 = vector.load %arg5[%get3A_31, %get3A_32] : memref<128x256xf32, #tpu.memory_space<vmem>>, vector<128x256xf32>
    %dot_general3A_34 = arith.constant dense<0.000000e+00> : vector<1024x256xf32>
    %dot_general3A_35 = tpu.matmul %concatenate3A_22, %get3A_33, %dot_general3A_34 {dimension_numbers = #tpu.dot_dimension_numbers<[1], [0], [0], [1], [0, 0, 1, 1], [], []>, transpose_lhs_hint = false} : vector<1024x128xf32>, vector<128x256xf32>, vector<1024x256xf32> -> vector<1024x256xf32>
    %add3A_36 = arith.addf %add3A_30, %dot_general3A_35 : vector<1024x256xf32>
    %max3A_37 = arith.constant 0.000000e+00 : f32
    %max3A_38 = vector.broadcast %max3A_37 : f32 to vector<1024x256xf32>
    %max3A_39 = arith.maximumf %add3A_36, %max3A_38 : vector<1024x256xf32>
    %get3A_40 = arith.constant 0 : index
    %get3A_41 = arith.constant 0 : index
    %get3A_42 = vector.load %arg7[%get3A_40, %get3A_41] : memref<256x16xf32, #tpu.memory_space<vmem>>, vector<256x16xf32>
    %dot_general3A_43 = arith.constant dense<0.000000e+00> : vector<1024x16xf32>
    %dot_general3A_44 = tpu.matmul %max3A_39, %get3A_42, %dot_general3A_43 {dimension_numbers = #tpu.dot_dimension_numbers<[1], [0], [0], [1], [0, 0, 1, 1], [], []>, transpose_lhs_hint = false} : vector<1024x256xf32>, vector<256x16xf32>, vector<1024x16xf32> -> vector<1024x16xf32>
    %swap3A = arith.constant 0 : index
    %swap3A_45 = arith.constant 0 : index
    %swap3A_46 = vector.load %arg10[%swap3A, %swap3A_45] : memref<1024x16xf32, #tpu.memory_space<vmem>>, vector<1024x16xf32>
    tpu.vector_store %arg10[%swap3A, %swap3A_45], %dot_general3A_44 {strides = array<i32>} : memref<1024x16xf32, #tpu.memory_space<vmem>>, vector<1024x16xf32>,
    %get3A_47 = arith.constant 0 : index
    %get3A_48 = arith.constant 0 : index
    %get3A_49 = vector.load %arg8[%get3A_47, %get3A_48] : memref<256x16xf32, #tpu.memory_space<vmem>>, vector<256x16xf32>
    %dot_general3A_50 = arith.constant dense<0.000000e+00> : vector<1024x16xf32>
    %dot_general3A_51 = tpu.matmul %max3A_39, %get3A_49, %dot_general3A_50 {dimension_numbers = #tpu.dot_dimension_numbers<[1], [0], [0], [1], [0, 0, 1, 1], [], []>, transpose_lhs_hint = false} : vector<1024x256xf32>, vector<256x16xf32>, vector<1024x16xf32> -> vector<1024x16xf32>
    %get3A_52 = arith.constant 0 : index
    %get3A_53 = arith.constant 0 : index
    %get3A_54 = vector.load %arg9[%get3A_52, %get3A_53] : memref<1x16xf32, #tpu.memory_space<vmem>>, vector<1x16xf32>
    %add3A_55 = vector.broadcast %get3A_54 : vector<1x16xf32> to vector<1024x16xf32>
    %add3A_56 = arith.addf %dot_general3A_51, %add3A_55 : vector<1024x16xf32>
    %swap3A_57 = arith.constant 0 : index
    %swap3A_58 = arith.constant 0 : index
    %swap3A_59 = vector.load %arg11[%swap3A_57, %swap3A_58] : memref<1024x16xf32, #tpu.memory_space<vmem>>, vector<1024x16xf32>
    tpu.vector_store %arg11[%swap3A_57, %swap3A_58], %add3A_56 {strides = array<i32>} : memref<1024x16xf32, #tpu.memory_space<vmem>>, vector<1024x16xf32>,
    %broadcast_in_dim3A = vector.shape_cast %div3A_12 : vector<1024x1xf32> to vector<1024x1xf32>
    %broadcast_in_dim3A_60 = vector.broadcast %broadcast_in_dim3A : vector<1024x1xf32> to vector<1024x16xf32>
    %swap3A_61 = arith.constant 0 : index
    %swap3A_62 = arith.constant 0 : index
    %swap3A_63 = vector.load %arg12[%swap3A_61, %swap3A_62] : memref<1024x16xf32, #tpu.memory_space<vmem>>, vector<1024x16xf32>
    tpu.vector_store %arg12[%swap3A_61, %swap3A_62], %broadcast_in_dim3A_60 {strides = array<i32>} : memref<1024x16xf32, #tpu.memory_space<vmem>>, vector<1024x16xf32>,
    return
  }
  func.func @transform_0(%arg0: i32) -> (i32, i32, i32) {
    %c0_i32 = arith.constant 0 : i32
    %c0_i32_0 = arith.constant 0 : i32
    %c0_i32_1 = arith.constant 0 : i32
    return %c0_i32, %arg0, %c0_i32_0 : i32, i32, i32
  }
  func.func @transform_1(%arg0: i32) -> (i32, i32) {
    %c0_i32 = arith.constant 0 : i32
    %c0_i32_0 = arith.constant 0 : i32
    return %arg0, %c0_i32 : i32, i32
  }
  func.func @transform_2(%arg0: i32) -> (i32, i32) {
    %add3A = arith.constant 10 : i32
    %add3A_0 = arith.addi %arg0, %add3A : i32
    %c0_i32 = arith.constant 0 : i32
    %c0_i32_1 = arith.constant 0 : i32
    return %add3A_0, %c0_i32 : i32, i32
  }
  func.func @transform_3(%arg0: i32) -> (i32, i32) {
    %c0_i32 = arith.constant 0 : i32
    %c0_i32_0 = arith.constant 0 : i32
    %c0_i32_1 = arith.constant 0 : i32
    return %c0_i32, %c0_i32_0 : i32, i32
  }
  func.func @transform_4(%arg0: i32) -> (i32, i32) {
    %c0_i32 = arith.constant 0 : i32
    %c0_i32_0 = arith.constant 0 : i32
    %c0_i32_1 = arith.constant 0 : i32
    return %c0_i32, %c0_i32_0 : i32, i32
  }
  func.func @transform_5(%arg0: i32) -> (i32, i32) {
    %c0_i32 = arith.constant 0 : i32
    %c0_i32_0 = arith.constant 0 : i32
    %c0_i32_1 = arith.constant 0 : i32
    return %c0_i32, %c0_i32_0 : i32, i32
  }
  func.func @transform_6(%arg0: i32) -> (i32, i32) {
    %c0_i32 = arith.constant 0 : i32
    %c0_i32_0 = arith.constant 0 : i32
    %c0_i32_1 = arith.constant 0 : i32
    return %c0_i32, %c0_i32_0 : i32, i32
  }
  func.func @transform_7(%arg0: i32) -> (i32, i32) {
    %c0_i32 = arith.constant 0 : i32
    %c0_i32_0 = arith.constant 0 : i32
    %c0_i32_1 = arith.constant 0 : i32
    return %c0_i32, %c0_i32_0 : i32, i32
  }
  func.func @transform_8(%arg0: i32) -> (i32, i32) {
    %c0_i32 = arith.constant 0 : i32
    %c0_i32_0 = arith.constant 0 : i32
    %c0_i32_1 = arith.constant 0 : i32
    return %c0_i32, %c0_i32_0 : i32, i32
  }
  func.func @transform_9(%arg0: i32) -> (i32, i32) {
    %c0_i32 = arith.constant 0 : i32
    %c0_i32_0 = arith.constant 0 : i32
    return %arg0, %c0_i32 : i32, i32
  }
  func.func @transform_10(%arg0: i32) -> (i32, i32) {
    %c0_i32 = arith.constant 0 : i32
    %c0_i32_0 = arith.constant 0 : i32
    return %arg0, %c0_i32 : i32, i32
  }
  func.func @transform_11(%arg0: i32) -> (i32, i32) {
    %c0_i32 = arith.constant 0 : i32
    %c0_i32_0 = arith.constant 0 : i32
    return %arg0, %c0_i32 : i32, i32
  }
}

module attributes {stable_mosaic.version = 14 : i64} {
  func.func @body(%arg0: memref<2x10240x16xf32, #tpu.memory_space<vmem>>, %arg1: memref<10240x16xf32, #tpu.memory_space<vmem>>, %arg2: memref<10240x16xf32, #tpu.memory_space<vmem>>, %arg3: memref<10240x16xf32, #tpu.memory_space<vmem>>) attributes {dimension_semantics = [], scalar_prefetch = 0 : i64, scratch_operands = 0 : i64, tpu.core_type = #tpu.core_type<tc>} {
    %get3A = arith.constant 0 : index
    %get3A_0 = arith.constant 0 : index
    %get3A_1 = arith.constant 0 : index
    %get3A_2 = vector.load %arg0[%get3A, %get3A_0, %get3A_1] : memref<2x10240x16xf32, #tpu.memory_space<vmem>>, vector<1x10240x16xf32>
    %get3A_3 = vector.shape_cast %get3A_2 : vector<1x10240x16xf32> to vector<10240x16xf32>
    %get3A_4 = arith.constant 1 : index
    %get3A_5 = arith.constant 0 : index
    %get3A_6 = arith.constant 0 : index
    %get3A_7 = vector.load %arg0[%get3A_4, %get3A_5, %get3A_6] : memref<2x10240x16xf32, #tpu.memory_space<vmem>>, vector<1x10240x16xf32>
    %get3A_8 = vector.shape_cast %get3A_7 : vector<1x10240x16xf32> to vector<10240x16xf32>
    %add3A = arith.addf %get3A_3, %get3A_8 : vector<10240x16xf32>
    %get3A_9 = arith.constant 0 : index
    %get3A_10 = arith.constant 0 : index
    %get3A_11 = vector.load %arg1[%get3A_9, %get3A_10] : memref<10240x16xf32, #tpu.memory_space<vmem>>, vector<10240x16xf32>
    %mul3A = arith.mulf %add3A, %get3A_11 : vector<10240x16xf32>
    %get3A_12 = arith.constant 0 : index
    %get3A_13 = arith.constant 0 : index
    %get3A_14 = vector.load %arg2[%get3A_12, %get3A_13] : memref<10240x16xf32, #tpu.memory_space<vmem>>, vector<10240x16xf32>
    %add3A_15 = arith.addf %mul3A, %get3A_14 : vector<10240x16xf32>
    %swap3A = arith.constant 0 : index
    %swap3A_16 = arith.constant 0 : index
    %swap3A_17 = vector.load %arg3[%swap3A, %swap3A_16] : memref<10240x16xf32, #tpu.memory_space<vmem>>, vector<10240x16xf32>
    tpu.vector_store %arg3[%swap3A, %swap3A_16], %add3A_15 {strides = array<i32>} : memref<10240x16xf32, #tpu.memory_space<vmem>>, vector<10240x16xf32>,
    return
  }
}

</mosaic_0001>

<sc_bundles>
// kernel: kernel.6.cloned.1.call-start
scs
__scs_entry_jumppad:
0x0: {  	(pc) =	sbr.rel $0x88, $3  }
0x1: {  	(tag) =	ssettag $0x0;
	lr =	simm.s32 $0x1  }
0x2: {  	[smem:$0x3F99] =	sst lr;
	_ =	strace $0xD0000000  }
0x3: {  	_ = 	snop  }
0x4: {  	_ = 	snop  }
0x5: {  	_ = 	snop  }
0x6: {  	_ = 	snop  }
0x7: {  	_ = 	snop  }
__scs_overlays_trampoline_lowered:
0x8: {  	[smem:$0x3FA8] =	sst s0  }
0x9: {  	[smem:$0x3FA9] =	sst s1  }
0xa: {  	[smem:$0x3FAA] =	sst s2  }
0xb: {  	[smem:$0x3FAB] =	sst s3  }
0xc: {  	[smem:$0x3FAC] =	sst s4  }
0xd: {  	[smem:$0x3FAD] =	sst s5  }
0xe: {  	[smem:$0x3FAE] =	sst s6  }
0xf: {  	[smem:$0x3FAF] =	sst s7  }
0x10: {  	[smem:$0x3FB0] =	sst s8  }
0x11: {  	[smem:$0x3FB1] =	sst s9;
	s0 =	simm.s32 @!p0 $0x0  }
0x12: {  	s1 =	sld [smem:$0x3F97];
	s0 =	simm.s32 @p0 $0x1  }
0x13: {  	[smem:$0x3FB2] =	sst s0;
	s0 =	simm.s32 @!p1 $0x0  }
0x14: {  	s2 =	sld [smem:$0x3F96];
	s0 =	simm.s32 @p1 $0x1  }
0x15: {  	[smem:$0x3FB3] =	sst s0;
	s0 =	simm.s32 @!p2 $0x0  }
0x16: {  	s3 =	sld [smem:$0x3FDB];
	s0 =	simm.s32 @p2 $0x1  }
0x17: {  	s4 =	simm.s32 $0x1BF5;
	[smem:$0x3FB5] =	sst s0  }
0x18: {  	s0 =	sld [smem:$0x3F98];
	_ =	swait.ge [sflag:s4], $0x0  }
0x19: {  	s7 =	sld [smem:$0x3F99]  }
0x1a: {  	s8 =	sadd.s32 $0xFFFFE003, lr  }
0x1b: {  	s9 =	sadd.s32 $0xFFFFFEF7, lr;
	s5 =	simm.s32 $0xFFFFFFFF;
	p2 =	slt.u32 s8, $0xFFFFF086  }
0x1c: {  	p1 =	slt.u32 s9, $0xF7A;
	s5 =	simm.s32 @!p2 $0x0  }
0x1d: {  	s5 =	simm.s32 @p1 $0x1;
	p0 =	seq.s32 s7, s2  }
0x1e: {  	s7 =	smul.u32 @!p0 $0xF7A, s2;
	p2 =	seq.s32 @!p0 s5, $0x0  }
0x1f: {  	s9 =	smul.u32 $0xF7A, s1;
	s8 =	simm.s32 @!p0 $0x1BF5;
	p2 =	por !p2, p0  }
0x20: {  	[sflag:s8] =	ssyncset.s32 @!p0 $0xFFFFF086;
	s6 =	sadd.s32 @!p0 s3, s7;
	s7 =	simm.s32 @!p0 $0x108  }
0x21: {  	s3 =	sadd.s32 s3, s9;
	s6 =	sadd.s32 @!p0 $0x88, s6;
	s7 =	simm.s32 @p2 $0x1082  }
0x22: {  	[simem:s7], [sflag:s8] =	dma.local @!p0 [hbm:s6], $0xF7A  }
0x23: {  	s9 =	sor.u32 $0xD0000000, s2;
	s6 =	simm.s32 $0x108;
	_ =	swait.ge @!p0 [sflag:s8], $0x0  }
0x24: {  	s3 =	sadd.s32 $0x88, s3;
	s6 =	simm.s32 @!p1 $0x1082;
	[sflag:s4] =	ssyncset.s32 $0xFFFFF086  }
0x25: {  	[simem:s6], [sflag:s4] =	dma.local [hbm:s3], $0xF7A  }
0x26: {  	[smem:$0x3F99] =	sst s1;
	(tag) =	ssettag s2;
	_ =	strace s9  }
0x27: {  	s1 =	sld [smem:$0x3FA9]  }
0x28: {  	s2 =	sld [smem:$0x3FAA]  }
0x29: {  	s4 =	sld [smem:$0x3FAC]  }
0x2a: {  	p0 =	seq.s32 s5, $0x0;
	s5 =	sld [smem:$0x3FAD]  }
0x2b: {  	s6 =	sld [smem:$0x3FAE]  }
0x2c: {  	s7 =	sld [smem:$0x3FAF]  }
0x2d: {  	s3 =	simm.s32 $0x108;
	s8 =	sld [smem:$0x3FB0]  }
0x2e: {  	s3 =	simm.s32 @!p0 $0x1082;
	s9 =	sld [smem:$0x3FB1]  }
0x2f: {  	lr =	sadd.s32 s0, s3;
	s0 =	sld [smem:$0x3FA8]  }
0x30: {  	s3 =	sld [smem:$0x3FAB]  }
0x31: {  	[smem:$0x3FB4] =	sst s10  }
0x32: {  	s10 =	sld [smem:$0x3FB2];
	_ =	sdelay $0x3  }
0x33: {  	p0 =	seq.s32 s10, $0x1;
	s10 =	sld [smem:$0x3FB4];
	_ =	sdelay $0x3  }
0x34: {  	[smem:$0x3FB4] =	sst s10  }
0x35: {  	s10 =	sld [smem:$0x3FB3];
	_ =	sdelay $0x3  }
0x36: {  	p1 =	seq.s32 s10, $0x1;
	s10 =	sld [smem:$0x3FB4];
	_ =	sdelay $0x3  }
0x37: {  	[smem:$0x3FB4] =	sst s10  }
0x38: {  	s10 =	sld [smem:$0x3FB5]  }
0x39: {  	_ = 	snop;
	(pc) =	sbr.ind lr, $3  }
0x3a: {  	_ = 	snop  }
0x3b: {  	_ = 	snop  }
0x3c: {  	p2 =	seq.s32 s10, $0x1;
	s10 =	sld [smem:$0x3FB4]  }
0x3d: {  	_ =	shalt  }
0x3e: {  	_ =	shalt  }
0x3f: {  	_ =	shalt  }
0x40: {  	_ =	shalt  }
0x41: {  	_ =	shalt  }
0x42: {  	_ =	shalt  }
0x43: {  	_ =	shalt  }
0x44: {  	_ =	shalt  }
0x45: {  	_ =	shalt  }
0x46: {  	_ =	shalt  }
0x47: {  	_ =	shalt  }
0x48: {  	_ =	shalt  }
0x49: {  	_ =	shalt  }
0x4a: {  	_ =	shalt  }
0x4b: {  	_ =	shalt  }
0x4c: {  	_ =	shalt  }
0x4d: {  	_ =	shalt  }
0x4e: {  	_ =	shalt  }
0x4f: {  	_ =	shalt  }
0x50: {  	_ =	shalt  }
0x51: {  	_ =	shalt  }
0x52: {  	_ =	shalt  }
0x53: {  	_ =	shalt  }
0x54: {  	_ =	shalt  }
0x55: {  	_ =	shalt  }
0x56: {  	_ =	shalt  }
0x57: {  	_ =	shalt  }
0x58: {  	_ =	shalt  }
0x59: {  	_ =	shalt  }
0x5a: {  	_ =	shalt  }
0x5b: {  	_ =	shalt  }
0x5c: {  	_ =	shalt  }
0x5d: {  	_ =	shalt  }
0x5e: {  	_ =	shalt  }
0x5f: {  	_ =	shalt  }
0x60: {  	_ =	shalt  }
0x61: {  	_ =	shalt  }
0x62: {  	_ =	shalt  }
0x63: {  	_ =	shalt  }
0x64: {  	_ =	shalt  }
0x65: {  	_ =	shalt  }
0x66: {  	_ =	shalt  }
0x67: {  	_ =	shalt  }
0x68: {  	_ =	shalt  }
0x69: {  	_ =	shalt  }
0x6a: {  	_ =	shalt  }
0x6b: {  	_ =	shalt  }
0x6c: {  	_ =	shalt  }
0x6d: {  	_ =	shalt  }
0x6e: {  	_ =	shalt  }
0x6f: {  	_ =	shalt  }
0x70: {  	_ =	shalt  }
0x71: {  	_ =	shalt  }
0x72: {  	_ =	shalt  }
0x73: {  	_ =	shalt  }
0x74: {  	_ =	shalt  }
0x75: {  	_ =	shalt  }
0x76: {  	_ =	shalt  }
0x77: {  	_ =	shalt  }
0x78: {  	_ =	shalt  }
0x79: {  	_ =	shalt  }
0x7a: {  	_ =	shalt  }
0x7b: {  	_ =	shalt  }
0x7c: {  	_ =	shalt  }
0x7d: {  	_ =	shalt  }
0x7e: {  	_ =	shalt  }
0x7f: {  	_ =	shalt  }
0x80: {  	_ =	shalt  }
0x81: {  	_ =	shalt  }
0x82: {  	_ =	shalt  }
0x83: {  	_ =	shalt  }
0x84: {  	_ =	shalt  }
0x85: {  	_ =	shalt  }
0x86: {  	_ =	shalt  }
0x87: {  	_ =	shalt  }
.Lfunc_end0:
.L_simem_size_0:
called_computation_lowered:
.L_overlay_start_0:
0x88: {  	s2 =	sld [smem:$0x3FD9]  }
0x89: {  	s3 =	sld [smem:$0x3FFE];
	_ =	sdelay $0x1  }
0x8a: {  	s1 =	srdreg.scid  }
0x8b: {  	s0 =	sand.u32 $0x1, s1  }
0x8c: {  	s16 =	sshll.u32 s0, $0xA;
	s2 =	sadd.s32 s3, s2  }
0x8d: {  	s2 =	sadd.s32 s2, s16  }
0x8e: {  	[smem:$0x3FC0] =	sst s2  }
0x8f: {  	_ = 	snop  }
0x90: {  	(tm) =	ssettm $0x1  }
0x91: {  	s17 =	sld [smem:$0x3FFB];
	_ =	sdelay $0x3  }
0x92: {  	_ =	strace s17  }
0x93: {  	s2 =	sld [smem:$0x3FFC];
	_ =	sdelay $0x3  }
0x94: {  	_ =	strace s2  }
0x95: {  	s2 =	sld [smem:$0x3FFD];
	_ =	sdelay $0x3  }
0x96: {  	_ =	strace s2  }
0x97: {  	_ =	strace $0x8FFFFFFF  }
0x98: {  	s18 =	sld [smem:$0x3FDB];
	_ =	sdelay $0x1  }
0x99: {  	s19 =	simm.s32 $_scs_section_size  }
0x9a: {  	s4 =	simm.s32 $_size__tile_overlayer_lowered;
	s5 =	simm.s32 $_tile_overlayer_lowered  }
0x9b: {  	s22 =	simm.s32 $0x1BFF;
	s21 =	sshll.u32 s5, $0x1;
	s2 =	sadd.s32 s19, s18  }
0x9c: {  	s6 =	simm.s32 $0x0;
	s20 =	sshll.u32 s4, $0x1;
	s4 =	sadd.s32 s21, s2  }
0x9d: {  	[timem:s6], [sflag:s22] =	dma.local [hbm:s4], s20  }
0x9e: {  	_ =	swait.ge [sflag:s22], s20  }
0x9f: {  	s3 =	ssub.s32 $0x0, s20;
	[sflag:s22] =	ssyncset.done $0x0  }
0xa0: {  	[sflag:s22] =	ssyncadd.s32 s3;
	_ =	sdelay $0x1  }
0xa1: {  	s23 =	simm.s32 $0x1B8B  }
0xa2: {  	_ =	swait.ge [sflag:s23], $0x1  }
0xa3: {  	[sflag:s23] =	ssyncset.done $0x0  }
0xa4: {  	s25 =	simm.s32 $0x1B8E;
	s24 =	sld [smem:$0x3FFE];
	[sflag:s23] =	ssyncadd.s32 $0xFFFFFFFF  }
0xa5: {  	s26 =	simm.s32 $execute0_lowered;
	[smem:$0x3FD2] =	sst s25  }
0xa6: {  	s4 =	sshll.u32 s26, $0x1;
	_ =	strace $0x80000046;
	[dreg:$0x1] =	wrdreg $0xFFFFFFFF  }
0xa7: {  	s28 =	simm.s32 $_size_execute0_lowered;
	s2 =	sadd.s32 s2, s4;
	[dreg:$0x0] =	wrdreg $0x0  }
0xa8: {  	s4 =	sshll.u32 s28, $0x1;
	[dreg:$0x2] =	wrdreg s2  }
0xa9: {  	[dreg:$0x3] =	wrdreg s4  }
0xaa: {  	[dreg:$0x4] =	wrdreg $0xC0  }
0xab: {  	_ =	task [dreg:s6], $0x5FFFF  }
0xac: {  	[dreg:$0x1] =	wrdreg $0xFFFFFFFF  }
0xad: {  	[dreg:$0x0] =	wrdreg $0x60  }
0xae: {  	[dreg:$0x2] =	wrdreg s24  }
0xaf: {  	[dreg:$0x3] =	wrdreg $0xCEE00  }
0xb0: {  	[dreg:$0x4] =	wrdreg $0x9  }
0xb1: {  	_ =	task.clear_ibuf [dreg:s6], $0x5FFFF;
	_ =	strace $0x90000046  }
0xb2: {  	s29 =	simm.s32 $0x9;
	_ =	strace $0x80000048  }
0xb3: {  	_ =	swait.ge [sflag:s29], $0x1  }
0xb4: {  	[sflag:s29] =	ssyncadd.s32 $0xFFFFFFFF  }
0xb5: {  	_ =	strace $0x90000048  }
0xb6: {  	_ =	sfence  }
0xb7: {  	s30 =	sld [smem:$0x0];
	_ =	sdelay $0x2  }
0xb8: {  	s31 =	sshll.u32 s1, $0xD;
	s1 =	sshrl.u32 s1, $0x2  }
0xb9: {  	s3 =	sand.u32 $0x4000, s31;
	s1 =	sadd.s32 s1, s30  }
0xba: {  	s0 =	sor.u32 s3, s0;
	s1 =	sshll.u32 s1, $0x11  }
0xbb: {  	s0 =	sor.u32 s1, s0  }
0xbc: {  	s0 =	sadd.s32 $0x8F2B, s0  }
0xbd: {  	[sflag:s0] =	ssyncadd.remote.s32 $0x1  }
0xbe: {  	_ =	sfence.sel $0xFFFF  }
0xbf: {  	[dreg:$0x0] =	wrdreg $0xFFFFFFFF;
	(pc) =	sbr.abs _section_cstart, $3  }
0xc0: {  	[dreg:$0x1] =	wrdreg $0xFFFFFFFF  }
0xc1: {  	_ =	task.clear_ibuf [dreg:s6], $0x2FFFF;
	_ =	strace $0x9FFFFFFF  }
0xc2: {  	(tm) =	ssettm $0x7FFFFFFF  }
0xc3: {  	_ =	shalt  }
tec
execute0_lowered:
.L_overlay_start_1:
0x0: {  	(tag) =	ssettag $0x1  }
0x1: {  	s5 =	rddreg [dreg:$0x0]  }
0x2: {  	s2 =	rddreg [dreg:$0x1]  }
0x3: {  	s1 =	stileid.u32;
	s0 =	rddreg [dreg:$0x2]  }
0x4: {  	s3 =	simm.s32 $0x0;
	s4 =	srdreg.scid;
	s18 =	simm.s32 $0x3  }
0x5: {  	s19 =	simm.s32 $0x4EC0;
	s20 =	simm.s32 $0x50;
	s6 =	smul.u32 $0x9D8, s1  }
0x6: {  	s21 =	simm.s32 $0xB5E0;
	s23 =	simm.s32 $0x2;
	s7 =	smul.u32 $0x9C4, s1  }
0x7: {  	s24 =	simm.s32 $0x0;
	[smem:$0x7FF] =	sst s3;
	s8 =	smul.u32 $0xC800, s1  }
0x8: {  	s15 =	sand.u32 $0x1, s4;
	s4 =	sadd.s32 $0x65800, s5;
	s29 =	smul.u32 $0x32000, s1  }
0x9: {  	_ =	strace $0x80000047;
	s9 =	smul.u32 $0xC8000, s15;
	s31 =	ssub.s32 $0x2, s15  }
0xa: {  	s22 =	smul.u32 $0x2800, s15;
	s13 =	sadd.s32 s6, s5;
	s14 =	sadd.s32 s7, s5  }
0xb: {  	s10 =	sshrl.u32 s31, $0x1;
	s6 =	sshrl.u32 s29, $0x2;
	s30 =	sadd.s32 s8, s9  }
0xc: {  	s17 =	ssub.s32 s31, s10;
	s12 =	sadd.s32 s6, s2;
	s13 =	sadd.s32 $0xBA00, s13  }
0xd: {  	s14 =	sadd.s32 $0x1C00, s14;
	v0 =	vmov s22;
	s22 =	simm.s32 $0x1;
	s7 =	sshrl.u32 s30, $0x3  }
0xe: {  	s6 =	sadd.s32 $0x1900, s12;
	s9 =	sadd.s32 $0x6400, s12;
	s10 =	sadd.s32 $0x7D00, s12  }
0xf: {  	s11 =	sadd.s32 $0x9600, s12;
	s16 =	sadd.s32 s7, s5;
	s5 =	sadd.s32 s8, s2  }
0x10: {  	s7 =	sadd.s32 $0x3200, s12;
	s8 =	sadd.s32 $0x4B00, s12;
	s12 =	sadd.s32 $0xAF00, s12  }
0x11: {  	v1 =	vimm.f32 $0.0e+00;
	s15 =	sadd.s32 $0x97800, s16;
	s16 =	smax.u32 s17, $0x1;
	s17 =	simm.s32 $0x9CE0  }
.LBB2_1:
0x12: {  	s26 =	simm.s32 $0x240;
	s25 =	simm.s32 $0x40  }
.LBB2_2:
0x13: {  	p0 =	sne.s32 s26, $0x63C0;
	[tilespmem:s25+$0x9CE0] =	vst v1;
	s28 =	smov.u32 s26;
	s26 =	sadd.s32 $0x140, s26  }
.Ltmp0:
0x14: {  	[tilespmem:s25+$0x9CD0] =	vst v1;
	(pc) =	sbr.rel @p0 .LBB2_2-.Ltmp0, $4  }
0x15: {  	[tilespmem:s25+$0x9CC0] =	vst v1  }
0x16: {  	[tilespmem:s25+$0x9CA0] =	vst v1  }
0x17: {  	[tilespmem:s25+$0x9CB0] =	vst v1  }
0x18: {  	s25 =	sshra.s32 s28, $0x2  }
0x19: {  	[tilespmem:s25+$0x9CE0] =	vst v1  }
0x1a: {  	[tilespmem:s25+$0x9CD0] =	vst v1  }
0x1b: {  	[tilespmem:s25+$0x9CC0] =	vst v1  }
0x1c: {  	[tilespmem:s25+$0x9CA0] =	vst v1  }
0x1d: {  	[tilespmem:s25+$0x9CB0] =	vst v1  }
0x1e: {  	[spmem:s5] =	stream.linear.scatter [tilespmem:s17], [sflag:$0x3], $0x1900, $0x38;
	[tilespmem:$0x196E0] =	vst v63  }
0x1f: {  	_ =	swait.ge [sflag:s18], $0x1900  }
0x20: {  	[sflag:s18] =	ssyncset.done $0x0  }
0x21: {  	[sflag:s18] =	ssyncadd.s32 $0xFFFFE700  }
0x22: {  	[spmem:s6] =	stream.linear.scatter [tilespmem:s17], [sflag:$0x3], $0x1900, $0x38;
	[tilespmem:$0x196E0] =	vst v63  }
0x23: {  	_ =	swait.ge [sflag:s18], $0x1900  }
0x24: {  	[sflag:s18] =	ssyncset.done $0x0  }
0x25: {  	[sflag:s18] =	ssyncadd.s32 $0xFFFFE700  }
0x26: {  	[spmem:s7] =	stream.linear.scatter [tilespmem:s17], [sflag:$0x3], $0x1900, $0x38;
	[tilespmem:$0x196E0] =	vst v63  }
0x27: {  	_ =	swait.ge [sflag:s18], $0x1900  }
0x28: {  	[sflag:s18] =	ssyncset.done $0x0  }
0x29: {  	[sflag:s18] =	ssyncadd.s32 $0xFFFFE700  }
0x2a: {  	[spmem:s8] =	stream.linear.scatter [tilespmem:s17], [sflag:$0x3], $0x1900, $0x38;
	[tilespmem:$0x196E0] =	vst v63  }
0x2b: {  	_ =	swait.ge [sflag:s18], $0x1900  }
0x2c: {  	[sflag:s18] =	ssyncset.done $0x0  }
0x2d: {  	[sflag:s18] =	ssyncadd.s32 $0xFFFFE700  }
0x2e: {  	[spmem:s9] =	stream.linear.scatter [tilespmem:s17], [sflag:$0x3], $0x1900, $0x38;
	[tilespmem:$0x196E0] =	vst v63  }
0x2f: {  	_ =	swait.ge [sflag:s18], $0x1900  }
0x30: {  	[sflag:s18] =	ssyncset.done $0x0  }
0x31: {  	[sflag:s18] =	ssyncadd.s32 $0xFFFFE700  }
0x32: {  	[spmem:s10] =	stream.linear.scatter [tilespmem:s17], [sflag:$0x3], $0x1900, $0x38;
	[tilespmem:$0x196E0] =	vst v63  }
0x33: {  	_ =	swait.ge [sflag:s18], $0x1900  }
0x34: {  	[sflag:s18] =	ssyncset.done $0x0  }
0x35: {  	[sflag:s18] =	ssyncadd.s32 $0xFFFFE700  }
0x36: {  	[spmem:s11] =	stream.linear.scatter [tilespmem:s17], [sflag:$0x3], $0x1900, $0x38;
	[tilespmem:$0x196E0] =	vst v63  }
0x37: {  	_ =	swait.ge [sflag:s18], $0x1900  }
0x38: {  	[sflag:s18] =	ssyncset.done $0x0  }
0x39: {  	[sflag:s18] =	ssyncadd.s32 $0xFFFFE700  }
0x3a: {  	[spmem:s12] =	stream.linear.scatter [tilespmem:s17], [sflag:$0x3], $0x1900, $0x38;
	[tilespmem:$0x196E0] =	vst v63  }
0x3b: {  	_ =	swait.ge [sflag:s18], $0x1900  }
0x3c: {  	[sflag:s18] =	ssyncset.done $0x0  }
0x3d: {  	[sflag:s18] =	ssyncadd.s32 $0xFFFFE700  }
0x3e: {  	[tilespmem:s3], [sflag:$0x3] =	stream.linear.gather [hbm4b:s13+s3], $0x4EC0, $0x38;
	[tilespmem:$0x196E0] =	vst v63  }
0x3f: {  	_ =	swait.ge [sflag:s18], $0x4EC0  }
0x40: {  	[sflag:s18] =	ssyncset.done $0x0  }
0x41: {  	[sflag:s18] =	ssyncadd.s32 $0xFFFFB140  }
0x42: {  	[tilespmem:s19], [sflag:$0x3] =	stream.linear.gather [hbm4b:s14+s3], $0x4E20, $0x38;
	[tilespmem:$0x196E0] =	vst v63  }
0x43: {  	_ =	swait.ge [sflag:s18], $0x4E20  }
0x44: {  	[sflag:s18] =	ssyncset.done $0x0  }
0x45: {  	s25 =	simm.s32 $0x40;
	[sflag:s18] =	ssyncadd.s32 $0xFFFFB1E0  }
0x46: {  	v2 =	vld [tilespmem:s25+$0xFFFFFFC0]  }
0x47: {  	v3 =	vld [tilespmem:s25+$0xFFFFFFD0]  }
0x48: {  	v4 =	vld [tilespmem:s25+$0xFFFFFFE0]  }
0x49: {  	v5 =	vld [tilespmem:s25+$0x0]  }
0x4a: {  	v6 =	vld [tilespmem:s25+$0xFFFFFFF0]  }
0x4b: {  	v2 =	vadd.s32 v0, v2  }
0x4c: {  	s26 =	simm.s32 $0x90;
	v3 =	vadd.s32 v0, v3;
	[tilespmem:s25+$0xFFFFFFC0] =	vst v2  }
0x4d: {  	v4 =	vadd.s32 v0, v4;
	v2 =	vld [tilespmem:s26+$0xFFFFFFC0];
	[tilespmem:s25+$0xFFFFFFD0] =	vst v3  }
0x4e: {  	v7 =	vadd.s32 v0, v5;
	v3 =	vld [tilespmem:s26+$0xFFFFFFD0];
	[tilespmem:s25+$0xFFFFFFE0] =	vst v4  }
0x4f: {  	s28 =	simm.s32 $0x380;
	v5 =	vadd.s32 v0, v6;
	v4 =	vld [tilespmem:s26+$0xFFFFFFE0];
	[tilespmem:s25+$0x0] =	vst v7  }
.LBB2_4:
0x50: {  	p0 =	sne.s32 s28, $0x13AC0;
	v6 =	vld [tilespmem:s26+$0x0];
	[tilespmem:s25+$0xFFFFFFF0] =	vst v5;
	s25 =	smov.u32 s26  }
0x51: {  	v5 =	vld [tilespmem:s25+$0xFFFFFFF0]  }
.Ltmp1:
0x52: {  	v2 =	vadd.s32 v0, v2;
	(pc) =	sbr.rel @p0 .LBB2_4-.Ltmp1, $4  }
0x53: {  	s26 =	sshra.s32 s28, $0x2;
	[tilespmem:s25+$0xFFFFFFC0] =	vst v2;
	v3 =	vadd.s32 v0, v3  }
0x54: {  	v2 =	vld [tilespmem:s26+$0xFFFFFFC0];
	[tilespmem:s25+$0xFFFFFFD0] =	vst v3;
	v4 =	vadd.s32 v0, v4  }
0x55: {  	v3 =	vld [tilespmem:s26+$0xFFFFFFD0];
	[tilespmem:s25+$0xFFFFFFE0] =	vst v4;
	v6 =	vadd.s32 v0, v6  }
0x56: {  	s28 =	sadd.s32 $0x140, s28;
	v4 =	vld [tilespmem:s26+$0xFFFFFFE0];
	v5 =	vadd.s32 v0, v5;
	[tilespmem:s25+$0x0] =	vst v6  }
0x57: {  	v6 =	vld [tilespmem:s26+$0x0];
	[tilespmem:s25+$0xFFFFFFF0] =	vst v5  }
0x58: {  	v5 =	vld [tilespmem:s26+$0xFFFFFFF0]  }
0x59: {  	v2 =	vadd.s32 v0, v2  }
0x5a: {  	[tilespmem:s26+$0xFFFFFFC0] =	vst v2;
	v2 =	vadd.s32 v0, v3  }
0x5b: {  	[tilespmem:s26+$0xFFFFFFD0] =	vst v2;
	v2 =	vadd.s32 v0, v4  }
0x5c: {  	[tilespmem:s26+$0xFFFFFFE0] =	vst v2;
	v2 =	vadd.s32 v0, v6  }
0x5d: {  	v3 =	vadd.s32 v0, v5;
	[tilespmem:s26+$0x0] =	vst v2  }
0x5e: {  	[tilespmem:s26+$0xFFFFFFF0] =	vst v3  }
0x5f: {  	s28 =	simm.s32 $0x0;
	[bflag:$0x0] =	sbarrier.arrive $0xFFFF  }
0x60: {  	[tilespmem:s17], [sflag:$0x1] =	stream.indirect.gather [hbm4b:s4+s20], $0x50, s28, s20, $0xb8;
	[tilespmem:$0x196E0] =	vst v63  }
0x61: {  	_ = 	snop  }
0x62: {  	[tilespmem:s21], [sflag:$0x2] =	stream.indirect.gather [hbm4b:s4+s20], $0x50, s20, s20, $0xb8;
	[tilespmem:$0x196E0] =	vst v63  }
0x63: {  	_ =	swait.ge [sflag:s22], $0x1900  }
0x64: {  	[sflag:s22] =	ssyncset.done $0x0  }
0x65: {  	s29 =	simm.s32 $0x4EC0;
	[sflag:s22] =	ssyncadd.s32 $0xFFFFE700  }
0x66: {  	[spmem:s2] =	stream.indirect.scatter.add.f32 [tilespmem:s17], [sflag:$0x3], $0x50, s29, s20, $0xb8;
	[tilespmem:$0x196E0] =	vst v63  }
0x67: {  	_ =	swait.ge [sflag:s18], $0x1900  }
0x68: {  	[sflag:s18] =	ssyncset.done $0x0  }
0x69: {  	s30 =	simm.s32 $0xA0;
	[sflag:s18] =	ssyncadd.s32 $0xFFFFE700  }
0x6a: {  	[tilespmem:s17], [sflag:$0x1] =	stream.indirect.gather [hbm4b:s4+s20], $0x50, s30, s20, $0xb8;
	[tilespmem:$0x196E0] =	vst v63  }
0x6b: {  	_ =	swait.ge [sflag:s23], $0x1900  }
0x6c: {  	[sflag:s23] =	ssyncset.done $0x0  }
0x6d: {  	s31 =	simm.s32 $0x4F10;
	[sflag:s23] =	ssyncadd.s32 $0xFFFFE700  }
0x6e: {  	[spmem:s2] =	stream.indirect.scatter.add.f32 [tilespmem:s21], [sflag:$0x3], $0x50, s31, s20, $0xb8;
	[tilespmem:$0x196E0] =	vst v63  }
0x6f: {  	_ =	swait.ge [sflag:s18], $0x1900  }
0x70: {  	[sflag:s18] =	ssyncset.done $0x0  }
0x71: {  	s25 =	simm.s32 $0x280;
	s26 =	simm.s32 $0xF0;
	[sflag:s18] =	ssyncadd.s32 $0xFFFFE700  }
.LBB2_6:
0x72: {  	[tilespmem:s21], [sflag:$0x2] =	stream.indirect.gather [hbm4b:s4+s20], $0x50, s26, s20, $0xb8;
	[tilespmem:$0x196E0] =	vst v63  }
0x73: {  	s26 =	smov.u32 s25  }
0x74: {  	p0 =	sne.s32 s25, $0x13600;
	s25 =	sadd.s32 $0x280, s25;
	_ =	swait.ge [sflag:s22], $0x1900  }
0x75: {  	s26 =	sshra.s32 s26, $0x2;
	[sflag:s22] =	ssyncset.done $0x0  }
0x76: {  	s28 =	sadd.s32 $0x4EC0, s26;
	[sflag:s22] =	ssyncadd.s32 $0xFFFFE700  }
0x77: {  	[spmem:s2] =	stream.indirect.scatter.add.f32 [tilespmem:s17], [sflag:$0x3], $0x50, s28, s20, $0xb8;
	[tilespmem:$0x196E0] =	vst v63  }
0x78: {  	_ =	swait.ge [sflag:s18], $0x1900  }
0x79: {  	[sflag:s18] =	ssyncset.done $0x0  }
0x7a: {  	s28 =	sadd.s32 $0xA0, s26;
	[sflag:s18] =	ssyncadd.s32 $0xFFFFE700  }
0x7b: {  	[tilespmem:s17], [sflag:$0x1] =	stream.indirect.gather [hbm4b:s4+s20], $0x50, s28, s20, $0xb8;
	[tilespmem:$0x196E0] =	vst v63  }
0x7c: {  	_ =	swait.ge [sflag:s23], $0x1900  }
0x7d: {  	[sflag:s23] =	ssyncset.done $0x0  }
.Ltmp2:
0x7e: {  	s28 =	sadd.s32 $0x4F10, s26;
	[sflag:s23] =	ssyncadd.s32 $0xFFFFE700;
	(pc) =	sbr.rel @p0 .LBB2_6-.Ltmp2, $4  }
0x7f: {  	[spmem:s2] =	stream.indirect.scatter.add.f32 [tilespmem:s21], [sflag:$0x3], $0x50, s28, s20, $0xb8;
	[tilespmem:$0x196E0] =	vst v63  }
0x80: {  	_ =	swait.ge [sflag:s18], $0x1900  }
0x81: {  	[sflag:s18] =	ssyncset.done $0x0  }
0x82: {  	s26 =	sadd.s32 $0xF0, s26;
	[sflag:s18] =	ssyncadd.s32 $0xFFFFE700  }
0x83: {  	[tilespmem:s21], [sflag:$0x2] =	stream.indirect.gather [hbm4b:s4+s20], $0x50, s26, s20, $0xb8;
	[tilespmem:$0x196E0] =	vst v63  }
0x84: {  	_ =	swait.ge [sflag:s22], $0x1900  }
0x85: {  	[sflag:s22] =	ssyncset.done $0x0  }
0x86: {  	[sflag:s22] =	ssyncadd.s32 $0xFFFFE700  }
0x87: {  	_ =	swait.ge [sflag:s23], $0x1900  }
0x88: {  	s25 =	sshll.u32 s1, $0x6;
	s24 =	sadd.s32 $0x1, s24;
	[sflag:s23] =	ssyncset.done $0x0  }
0x89: {  	s31 =	sshrl.u32 s5, $0x3;
	p0 =	sne.s32 s24, s16;
	[sflag:s23] =	ssyncadd.s32 $0xFFFFE700  }
.Ltmp3:
0x8a: {  	s25 =	sor.u32 $0x1C03, s25;
	[bflag:$0x0] =	sbarrier.arrive $0xFFFF;
	(pc) =	sbr.rel @p0 .LBB2_1-.Ltmp3, $4  }
0x8b: {  	[hbm:s15], [sflag:s25] =	dma.local [spmem:s31], $0x1900  }
0x8c: {  	_ =	swait.ge [sflag:s18], $0x1900  }
0x8d: {  	[sflag:s18] =	ssyncset.done $0x0  }
0x8e: {  	[sflag:s18] =	ssyncadd.s32 $0xFFFFE700  }
0x8f: {  	_ =	sfence.sel $0x180000  }
0x90: {  	[bflag:$0x0] =	sbarrier.arrive $0xFFFF  }
0x91: {  	p0 =	sne.s32 s1, $0x0;
	_ =	strace $0x90000047  }
0x92: {  	s0 =	sadd.s32 @!p0 $0x100000, s0;
	[bflag:$0x2] =	sbarrier.arrive $0xFFFF  }
0x93: {  	[sflag:s0] =	ssyncadd.tile.s32 @!p0 $0x1;
	_ =	shalt  }
.Lfunc_end2:
_tile_overlayer_lowered:
.L_overlay_start_2:
0x94: {  	(tag) =	ssettag $0x2  }
0x95: {  	s0 =	rddreg [dreg:$0x0];
	s2 =	stileid.u32  }
0x96: {  	s1 =	rddreg [dreg:$0x1];
	p0 =	sne.s32 s2, $0x0  }
0x97: {  	s3 =	rddreg [dreg:$0x2];
	[bflag:$0x3] =	sbarrier.arrive $0xFFFF;
	s2 =	simm.s32 @!p0 $0x1C03  }
0x98: {  	[timem:s3], [sflag:s2] =	dma.local @!p0 [hbm:s0], s1  }
0x99: {  	s0 =	simm.s32 @!p0 $0x3  }
0x9a: {  	_ =	swait.ge @!p0 [sflag:s0], s1  }
0x9b: {  	s1 =	ssub.s32 @!p0 $0x0, s1;
	[sflag:s0] =	ssyncset.done @!p0 $0x0  }
0x9c: {  	[sflag:s0] =	ssyncadd.s32 @!p0 s1  }
0x9d: {  	[bflag:$0x3] =	sbarrier.arrive $0xFFFF  }
0x9e: {  	_ =	shalt  }

// kernel: kernel.9.cloned.1.call-start
scs
__scs_entry_jumppad:
0x0: {  	(pc) =	sbr.rel $0x88, $3  }
0x1: {  	(tag) =	ssettag $0x0;
	lr =	simm.s32 $0x1  }
0x2: {  	[smem:$0x3F99] =	sst lr;
	_ =	strace $0xD0000000  }
0x3: {  	_ = 	snop  }
0x4: {  	_ = 	snop  }
0x5: {  	_ = 	snop  }
0x6: {  	_ = 	snop  }
0x7: {  	_ = 	snop  }
__scs_overlays_trampoline_lowered:
0x8: {  	[smem:$0x3FA8] =	sst s0  }
0x9: {  	[smem:$0x3FA9] =	sst s1  }
0xa: {  	[smem:$0x3FAA] =	sst s2  }
0xb: {  	[smem:$0x3FAB] =	sst s3  }
0xc: {  	[smem:$0x3FAC] =	sst s4  }
0xd: {  	[smem:$0x3FAD] =	sst s5  }
0xe: {  	[smem:$0x3FAE] =	sst s6  }
0xf: {  	[smem:$0x3FAF] =	sst s7  }
0x10: {  	[smem:$0x3FB0] =	sst s8  }
0x11: {  	[smem:$0x3FB1] =	sst s9;
	s0 =	simm.s32 @!p0 $0x0  }
0x12: {  	s1 =	sld [smem:$0x3F97];
	s0 =	simm.s32 @p0 $0x1  }
0x13: {  	[smem:$0x3FB2] =	sst s0;
	s0 =	simm.s32 @!p1 $0x0  }
0x14: {  	s2 =	sld [smem:$0x3F96];
	s0 =	simm.s32 @p1 $0x1  }
0x15: {  	[smem:$0x3FB3] =	sst s0;
	s0 =	simm.s32 @!p2 $0x0  }
0x16: {  	s3 =	sld [smem:$0x3FDB];
	s0 =	simm.s32 @p2 $0x1  }
0x17: {  	s4 =	simm.s32 $0x1BF5;
	[smem:$0x3FB5] =	sst s0  }
0x18: {  	s0 =	sld [smem:$0x3F98];
	_ =	swait.ge [sflag:s4], $0x0  }
0x19: {  	s7 =	sld [smem:$0x3F99]  }
0x1a: {  	s8 =	sadd.s32 $0xFFFFE003, lr  }
0x1b: {  	s9 =	sadd.s32 $0xFFFFFEF7, lr;
	s5 =	simm.s32 $0xFFFFFFFF;
	p2 =	slt.u32 s8, $0xFFFFF086  }
0x1c: {  	p1 =	slt.u32 s9, $0xF7A;
	s5 =	simm.s32 @!p2 $0x0  }
0x1d: {  	s5 =	simm.s32 @p1 $0x1;
	p0 =	seq.s32 s7, s2  }
0x1e: {  	s7 =	smul.u32 @!p0 $0xF7A, s2;
	p2 =	seq.s32 @!p0 s5, $0x0  }
0x1f: {  	s9 =	smul.u32 $0xF7A, s1;
	s8 =	simm.s32 @!p0 $0x1BF5;
	p2 =	por !p2, p0  }
0x20: {  	[sflag:s8] =	ssyncset.s32 @!p0 $0xFFFFF086;
	s6 =	sadd.s32 @!p0 s3, s7;
	s7 =	simm.s32 @!p0 $0x108  }
0x21: {  	s3 =	sadd.s32 s3, s9;
	s6 =	sadd.s32 @!p0 $0x88, s6;
	s7 =	simm.s32 @p2 $0x1082  }
0x22: {  	[simem:s7], [sflag:s8] =	dma.local @!p0 [hbm:s6], $0xF7A  }
0x23: {  	s9 =	sor.u32 $0xD0000000, s2;
	s6 =	simm.s32 $0x108;
	_ =	swait.ge @!p0 [sflag:s8], $0x0  }
0x24: {  	s3 =	sadd.s32 $0x88, s3;
	s6 =	simm.s32 @!p1 $0x1082;
	[sflag:s4] =	ssyncset.s32 $0xFFFFF086  }
0x25: {  	[simem:s6], [sflag:s4] =	dma.local [hbm:s3], $0xF7A  }
0x26: {  	[smem:$0x3F99] =	sst s1;
	(tag) =	ssettag s2;
	_ =	strace s9  }
0x27: {  	s1 =	sld [smem:$0x3FA9]  }
0x28: {  	s2 =	sld [smem:$0x3FAA]  }
0x29: {  	s4 =	sld [smem:$0x3FAC]  }
0x2a: {  	p0 =	seq.s32 s5, $0x0;
	s5 =	sld [smem:$0x3FAD]  }
0x2b: {  	s6 =	sld [smem:$0x3FAE]  }
0x2c: {  	s7 =	sld [smem:$0x3FAF]  }
0x2d: {  	s3 =	simm.s32 $0x108;
	s8 =	sld [smem:$0x3FB0]  }
0x2e: {  	s3 =	simm.s32 @!p0 $0x1082;
	s9 =	sld [smem:$0x3FB1]  }
0x2f: {  	lr =	sadd.s32 s0, s3;
	s0 =	sld [smem:$0x3FA8]  }
0x30: {  	s3 =	sld [smem:$0x3FAB]  }
0x31: {  	[smem:$0x3FB4] =	sst s10  }
0x32: {  	s10 =	sld [smem:$0x3FB2];
	_ =	sdelay $0x3  }
0x33: {  	p0 =	seq.s32 s10, $0x1;
	s10 =	sld [smem:$0x3FB4];
	_ =	sdelay $0x3  }
0x34: {  	[smem:$0x3FB4] =	sst s10  }
0x35: {  	s10 =	sld [smem:$0x3FB3];
	_ =	sdelay $0x3  }
0x36: {  	p1 =	seq.s32 s10, $0x1;
	s10 =	sld [smem:$0x3FB4];
	_ =	sdelay $0x3  }
0x37: {  	[smem:$0x3FB4] =	sst s10  }
0x38: {  	s10 =	sld [smem:$0x3FB5]  }
0x39: {  	_ = 	snop;
	(pc) =	sbr.ind lr, $3  }
0x3a: {  	_ = 	snop  }
0x3b: {  	_ = 	snop  }
0x3c: {  	p2 =	seq.s32 s10, $0x1;
	s10 =	sld [smem:$0x3FB4]  }
0x3d: {  	_ =	shalt  }
0x3e: {  	_ =	shalt  }
0x3f: {  	_ =	shalt  }
0x40: {  	_ =	shalt  }
0x41: {  	_ =	shalt  }
0x42: {  	_ =	shalt  }
0x43: {  	_ =	shalt  }
0x44: {  	_ =	shalt  }
0x45: {  	_ =	shalt  }
0x46: {  	_ =	shalt  }
0x47: {  	_ =	shalt  }
0x48: {  	_ =	shalt  }
0x49: {  	_ =	shalt  }
0x4a: {  	_ =	shalt  }
0x4b: {  	_ =	shalt  }
0x4c: {  	_ =	shalt  }
0x4d: {  	_ =	shalt  }
0x4e: {  	_ =	shalt  }
0x4f: {  	_ =	shalt  }
0x50: {  	_ =	shalt  }
0x51: {  	_ =	shalt  }
0x52: {  	_ =	shalt  }
0x53: {  	_ =	shalt  }
0x54: {  	_ =	shalt  }
0x55: {  	_ =	shalt  }
0x56: {  	_ =	shalt  }
0x57: {  	_ =	shalt  }
0x58: {  	_ =	shalt  }
0x59: {  	_ =	shalt  }
0x5a: {  	_ =	shalt  }
0x5b: {  	_ =	shalt  }
0x5c: {  	_ =	shalt  }
0x5d: {  	_ =	shalt  }
0x5e: {  	_ =	shalt  }
0x5f: {  	_ =	shalt  }
0x60: {  	_ =	shalt  }
0x61: {  	_ =	shalt  }
0x62: {  	_ =	shalt  }
0x63: {  	_ =	shalt  }
0x64: {  	_ =	shalt  }
0x65: {  	_ =	shalt  }
0x66: {  	_ =	shalt  }
0x67: {  	_ =	shalt  }
0x68: {  	_ =	shalt  }
0x69: {  	_ =	shalt  }
0x6a: {  	_ =	shalt  }
0x6b: {  	_ =	shalt  }
0x6c: {  	_ =	shalt  }
0x6d: {  	_ =	shalt  }
0x6e: {  	_ =	shalt  }
0x6f: {  	_ =	shalt  }
0x70: {  	_ =	shalt  }
0x71: {  	_ =	shalt  }
0x72: {  	_ =	shalt  }
0x73: {  	_ =	shalt  }
0x74: {  	_ =	shalt  }
0x75: {  	_ =	shalt  }
0x76: {  	_ =	shalt  }
0x77: {  	_ =	shalt  }
0x78: {  	_ =	shalt  }
0x79: {  	_ =	shalt  }
0x7a: {  	_ =	shalt  }
0x7b: {  	_ =	shalt  }
0x7c: {  	_ =	shalt  }
0x7d: {  	_ =	shalt  }
0x7e: {  	_ =	shalt  }
0x7f: {  	_ =	shalt  }
0x80: {  	_ =	shalt  }
0x81: {  	_ =	shalt  }
0x82: {  	_ =	shalt  }
0x83: {  	_ =	shalt  }
0x84: {  	_ =	shalt  }
0x85: {  	_ =	shalt  }
0x86: {  	_ =	shalt  }
0x87: {  	_ =	shalt  }
.Lfunc_end0:
.L_simem_size_0:
called_computation.1_lowered:
.L_overlay_start_0:
0x88: {  	s2 =	sld [smem:$0x3FD9]  }
0x89: {  	s3 =	sld [smem:$0x3FFE];
	_ =	sdelay $0x1  }
0x8a: {  	s1 =	srdreg.scid  }
0x8b: {  	s0 =	sand.u32 $0x1, s1  }
0x8c: {  	s16 =	sshll.u32 s0, $0xA;
	s2 =	sadd.s32 s3, s2  }
0x8d: {  	s2 =	sadd.s32 s2, s16  }
0x8e: {  	[smem:$0x3FC0] =	sst s2  }
0x8f: {  	_ = 	snop  }
0x90: {  	(tm) =	ssettm $0x1  }
0x91: {  	s17 =	sld [smem:$0x3FFB];
	_ =	sdelay $0x3  }
0x92: {  	_ =	strace s17  }
0x93: {  	s2 =	sld [smem:$0x3FFC];
	_ =	sdelay $0x3  }
0x94: {  	_ =	strace s2  }
0x95: {  	s2 =	sld [smem:$0x3FFD];
	_ =	sdelay $0x3  }
0x96: {  	_ =	strace s2  }
0x97: {  	_ =	strace $0x8FFFFFFF  }
0x98: {  	s18 =	sld [smem:$0x3FDB];
	_ =	sdelay $0x1  }
0x99: {  	s19 =	simm.s32 $_scs_section_size  }
0x9a: {  	s4 =	simm.s32 $_size__tile_overlayer_lowered;
	s5 =	simm.s32 $_tile_overlayer_lowered  }
0x9b: {  	s22 =	simm.s32 $0x1BFF;
	s21 =	sshll.u32 s5, $0x1;
	s2 =	sadd.s32 s19, s18  }
0x9c: {  	s6 =	simm.s32 $0x0;
	s20 =	sshll.u32 s4, $0x1;
	s4 =	sadd.s32 s21, s2  }
0x9d: {  	[timem:s6], [sflag:s22] =	dma.local [hbm:s4], s20  }
0x9e: {  	_ =	swait.ge [sflag:s22], s20  }
0x9f: {  	s3 =	ssub.s32 $0x0, s20;
	[sflag:s22] =	ssyncset.done $0x0  }
0xa0: {  	[sflag:s22] =	ssyncadd.s32 s3;
	_ =	sdelay $0x1  }
0xa1: {  	s23 =	simm.s32 $0x1B8B  }
0xa2: {  	_ =	swait.ge [sflag:s23], $0x1  }
0xa3: {  	[sflag:s23] =	ssyncset.done $0x0  }
0xa4: {  	s25 =	simm.s32 $0x1B8E;
	s24 =	sld [smem:$0x3FFE];
	[sflag:s23] =	ssyncadd.s32 $0xFFFFFFFF  }
0xa5: {  	s26 =	simm.s32 $execute0_lowered;
	[smem:$0x3FD2] =	sst s25  }
0xa6: {  	s4 =	sshll.u32 s26, $0x1;
	_ =	strace $0x80000049;
	[dreg:$0x1] =	wrdreg $0xFFFFFFFF  }
0xa7: {  	s28 =	simm.s32 $_size_execute0_lowered;
	s2 =	sadd.s32 s2, s4;
	[dreg:$0x0] =	wrdreg $0x0  }
0xa8: {  	s4 =	sshll.u32 s28, $0x1;
	[dreg:$0x2] =	wrdreg s2  }
0xa9: {  	[dreg:$0x3] =	wrdreg s4  }
0xaa: {  	[dreg:$0x4] =	wrdreg $0xC0  }
0xab: {  	_ =	task [dreg:s6], $0x5FFFF  }
0xac: {  	[dreg:$0x1] =	wrdreg $0xFFFFFFFF  }
0xad: {  	[dreg:$0x0] =	wrdreg $0x60  }
0xae: {  	[dreg:$0x2] =	wrdreg s24  }
0xaf: {  	[dreg:$0x3] =	wrdreg $0x59600  }
0xb0: {  	[dreg:$0x4] =	wrdreg $0x9  }
0xb1: {  	_ =	task.clear_ibuf [dreg:s6], $0x5FFFF;
	_ =	strace $0x90000049  }
0xb2: {  	s29 =	simm.s32 $0x9;
	_ =	strace $0x8000004B  }
0xb3: {  	_ =	swait.ge [sflag:s29], $0x1  }
0xb4: {  	[sflag:s29] =	ssyncadd.s32 $0xFFFFFFFF  }
0xb5: {  	_ =	strace $0x9000004B  }
0xb6: {  	_ =	sfence  }
0xb7: {  	s30 =	sld [smem:$0x0];
	_ =	sdelay $0x2  }
0xb8: {  	s31 =	sshll.u32 s1, $0xD;
	s1 =	sshrl.u32 s1, $0x2  }
0xb9: {  	s3 =	sand.u32 $0x4000, s31;
	s1 =	sadd.s32 s1, s30  }
0xba: {  	s0 =	sor.u32 s3, s0;
	s1 =	sshll.u32 s1, $0x11  }
0xbb: {  	s0 =	sor.u32 s1, s0  }
0xbc: {  	s0 =	sadd.s32 $0x8F2B, s0  }
0xbd: {  	[sflag:s0] =	ssyncadd.remote.s32 $0x1  }
0xbe: {  	_ =	sfence.sel $0xFFFF  }
0xbf: {  	[dreg:$0x0] =	wrdreg $0xFFFFFFFF;
	(pc) =	sbr.abs _section_cstart, $3  }
0xc0: {  	[dreg:$0x1] =	wrdreg $0xFFFFFFFF  }
0xc1: {  	_ =	task.clear_ibuf [dreg:s6], $0x2FFFF;
	_ =	strace $0x9FFFFFFF  }
0xc2: {  	(tm) =	ssettm $0x7FFFFFFF  }
0xc3: {  	_ =	shalt  }
tec
execute0_lowered:
.L_overlay_start_1:
0x0: {  	(tag) =	ssettag $0x1  }
0x1: {  	s6 =	rddreg [dreg:$0x0]  }
0x2: {  	s0 =	srdreg.scid;
	s2 =	rddreg [dreg:$0x1];
	s3 =	simm.s32 $0x0  }
0x3: {  	s17 =	simm.s32 $0x4F60;
	s18 =	simm.s32 $0x3;
	s19 =	simm.s32 $0x2800  }
0x4: {  	s20 =	simm.s32 $0x50;
	s5 =	sand.u32 $0x1, s0;
	s0 =	stileid.u32  }
0x5: {  	s21 =	simm.s32 $0x5460;
	s22 =	simm.s32 $0x1;
	s9 =	smul.u32 $0x2800, s0  }
0x6: {  	s23 =	simm.s32 $0x2;
	[smem:$0x7FF] =	sst s3;
	s10 =	smul.u32 $0x28000, s5  }
0x7: {  	s4 =	sadd.s32 $0x1C00, s6;
	s1 =	sshll.u32 s5, $0x4;
	s28 =	smul.u32 $0xA000, s0  }
0x8: {  	s5 =	ssub.s32 $0x2, s5;
	s7 =	sor.u32 s0, s1;
	s1 =	rddreg [dreg:$0x2]  }
0x9: {  	_ =	strace $0x8000004A;
	s30 =	sshrl.u32 s5, $0x1;
	s8 =	smul.u32 $0x500, s7  }
0xa: {  	s7 =	smul.u32 $0x4EC, s7;
	s26 =	sadd.s32 s9, s10;
	s31 =	sshrl.u32 s28, $0x2  }
0xb: {  	s16 =	ssub.s32 s5, s30;
	s5 =	sadd.s32 s9, s2;
	s29 =	sshrl.u32 s26, $0x3  }
0xc: {  	s12 =	sadd.s32 s31, s2;
	s16 =	smax.u32 s16, $0x1;
	s13 =	sadd.s32 s8, s6  }
0xd: {  	s14 =	sadd.s32 s7, s6;
	s15 =	sadd.s32 s29, s6;
	s6 =	sadd.s32 $0x500, s12  }
0xe: {  	s7 =	sadd.s32 $0xA00, s12;
	s8 =	sadd.s32 $0xF00, s12;
	s9 =	sadd.s32 $0x1400, s12  }
0xf: {  	s10 =	sadd.s32 $0x1900, s12;
	s11 =	sadd.s32 $0x1E00, s12;
	s12 =	sadd.s32 $0x2300, s12  }
0x10: {  	v0 =	vimm.f32 $0.0e+00;
	s13 =	sadd.s32 $0xC9800, s13;
	s14 =	sadd.s32 $0xD3800, s14;
	s15 =	sadd.s32 $0x6C00, s15  }
.LBB2_1:
0x11: {  	s24 =	simm.s32 $0x40;
	s25 =	simm.s32 $0x0  }
.LBB2_2:
0x12: {  	p0 =	sne.s32 s24, $0x13C0;
	[tilespmem:s25+$0x4F60] =	vst v0;
	s25 =	smov.u32 s24;
	s24 =	sadd.s32 $0x40, s24  }
.Ltmp0:
0x13: {  	(pc) =	sbr.rel @p0 .LBB2_2-.Ltmp0, $2  }
0x14: {  	_ =	sdelay $0x2  }
0x15: {  	s25 =	sshra.s32 s25, $0x2  }
0x16: {  	[tilespmem:s25+$0x4F60] =	vst v0  }
0x17: {  	[spmem:s5] =	stream.linear.scatter [tilespmem:s17], [sflag:$0x3], $0x500, $0x38;
	[tilespmem:$0x8160] =	vst v63  }
0x18: {  	_ =	swait.ge [sflag:s18], $0x500  }
0x19: {  	[sflag:s18] =	ssyncset.done $0x0  }
0x1a: {  	[sflag:s18] =	ssyncadd.s32 $0xFFFFFB00  }
0x1b: {  	[spmem:s6] =	stream.linear.scatter [tilespmem:s17], [sflag:$0x3], $0x500, $0x38;
	[tilespmem:$0x8160] =	vst v63  }
0x1c: {  	_ =	swait.ge [sflag:s18], $0x500  }
0x1d: {  	[sflag:s18] =	ssyncset.done $0x0  }
0x1e: {  	[sflag:s18] =	ssyncadd.s32 $0xFFFFFB00  }
0x1f: {  	[spmem:s7] =	stream.linear.scatter [tilespmem:s17], [sflag:$0x3], $0x500, $0x38;
	[tilespmem:$0x8160] =	vst v63  }
0x20: {  	_ =	swait.ge [sflag:s18], $0x500  }
0x21: {  	[sflag:s18] =	ssyncset.done $0x0  }
0x22: {  	[sflag:s18] =	ssyncadd.s32 $0xFFFFFB00  }
0x23: {  	[spmem:s8] =	stream.linear.scatter [tilespmem:s17], [sflag:$0x3], $0x500, $0x38;
	[tilespmem:$0x8160] =	vst v63  }
0x24: {  	_ =	swait.ge [sflag:s18], $0x500  }
0x25: {  	[sflag:s18] =	ssyncset.done $0x0  }
0x26: {  	[sflag:s18] =	ssyncadd.s32 $0xFFFFFB00  }
0x27: {  	[spmem:s9] =	stream.linear.scatter [tilespmem:s17], [sflag:$0x3], $0x500, $0x38;
	[tilespmem:$0x8160] =	vst v63  }
0x28: {  	_ =	swait.ge [sflag:s18], $0x500  }
0x29: {  	[sflag:s18] =	ssyncset.done $0x0  }
0x2a: {  	[sflag:s18] =	ssyncadd.s32 $0xFFFFFB00  }
0x2b: {  	[spmem:s10] =	stream.linear.scatter [tilespmem:s17], [sflag:$0x3], $0x500, $0x38;
	[tilespmem:$0x8160] =	vst v63  }
0x2c: {  	_ =	swait.ge [sflag:s18], $0x500  }
0x2d: {  	[sflag:s18] =	ssyncset.done $0x0  }
0x2e: {  	[sflag:s18] =	ssyncadd.s32 $0xFFFFFB00  }
0x2f: {  	[spmem:s11] =	stream.linear.scatter [tilespmem:s17], [sflag:$0x3], $0x500, $0x38;
	[tilespmem:$0x8160] =	vst v63  }
0x30: {  	_ =	swait.ge [sflag:s18], $0x500  }
0x31: {  	[sflag:s18] =	ssyncset.done $0x0  }
0x32: {  	[sflag:s18] =	ssyncadd.s32 $0xFFFFFB00  }
0x33: {  	[spmem:s12] =	stream.linear.scatter [tilespmem:s17], [sflag:$0x3], $0x500, $0x38;
	[tilespmem:$0x8160] =	vst v63  }
0x34: {  	_ =	swait.ge [sflag:s18], $0x500  }
0x35: {  	[sflag:s18] =	ssyncset.done $0x0  }
0x36: {  	s24 =	simm.s32 $0x0;
	[sflag:s18] =	ssyncadd.s32 $0xFFFFFB00  }
0x37: {  	[tilespmem:s24], [sflag:$0x3] =	stream.linear.gather [hbm4b:s13+s24], $0x2800, $0x38;
	[tilespmem:$0x8160] =	vst v63  }
0x38: {  	_ =	swait.ge [sflag:s18], $0x2800  }
0x39: {  	[sflag:s18] =	ssyncset.done $0x0  }
0x3a: {  	[sflag:s18] =	ssyncadd.s32 $0xFFFFD800  }
0x3b: {  	[tilespmem:s19], [sflag:$0x3] =	stream.linear.gather [hbm4b:s14+s24], $0x2760, $0x38;
	[tilespmem:$0x8160] =	vst v63  }
0x3c: {  	_ =	swait.ge [sflag:s18], $0x2760  }
0x3d: {  	[sflag:s18] =	ssyncset.done $0x0  }
0x3e: {  	[sflag:s18] =	ssyncadd.s32 $0xFFFFD8A0  }
0x3f: {  	[bflag:$0x0] =	sbarrier.arrive $0xFFFF  }
0x40: {  	[tilespmem:s17], [sflag:$0x1] =	stream.indirect.gather [hbm4b:s4+s20], $0x10, s24, s20, $0xb8;
	[tilespmem:$0x8160] =	vst v63  }
0x41: {  	_ = 	snop  }
0x42: {  	[tilespmem:s21], [sflag:$0x2] =	stream.indirect.gather [hbm4b:s4+s20], $0x10, s20, s20, $0xb8;
	[tilespmem:$0x8160] =	vst v63  }
0x43: {  	_ =	swait.ge [sflag:s22], $0x500  }
0x44: {  	[sflag:s22] =	ssyncset.done $0x0  }
0x45: {  	s29 =	simm.s32 $0x2800;
	[sflag:s22] =	ssyncadd.s32 $0xFFFFFB00  }
0x46: {  	[spmem:s2] =	stream.indirect.scatter.add.f32 [tilespmem:s17], [sflag:$0x3], $0x10, s29, s20, $0xb8;
	[tilespmem:$0x8160] =	vst v63  }
0x47: {  	_ =	swait.ge [sflag:s18], $0x500  }
0x48: {  	[sflag:s18] =	ssyncset.done $0x0  }
0x49: {  	s30 =	simm.s32 $0xA0;
	[sflag:s18] =	ssyncadd.s32 $0xFFFFFB00  }
0x4a: {  	[tilespmem:s17], [sflag:$0x1] =	stream.indirect.gather [hbm4b:s4+s20], $0x10, s30, s20, $0xb8;
	[tilespmem:$0x8160] =	vst v63  }
0x4b: {  	_ =	swait.ge [sflag:s23], $0x500  }
0x4c: {  	[sflag:s23] =	ssyncset.done $0x0  }
0x4d: {  	s31 =	simm.s32 $0x2850;
	[sflag:s23] =	ssyncadd.s32 $0xFFFFFB00  }
0x4e: {  	[spmem:s2] =	stream.indirect.scatter.add.f32 [tilespmem:s21], [sflag:$0x3], $0x10, s31, s20, $0xb8;
	[tilespmem:$0x8160] =	vst v63  }
0x4f: {  	_ =	swait.ge [sflag:s18], $0x500  }
0x50: {  	[sflag:s18] =	ssyncset.done $0x0  }
0x51: {  	s25 =	simm.s32 $0xF0;
	s24 =	simm.s32 $0x280;
	[sflag:s18] =	ssyncadd.s32 $0xFFFFFB00  }
.LBB2_4:
0x52: {  	[tilespmem:s21], [sflag:$0x2] =	stream.indirect.gather [hbm4b:s4+s20], $0x10, s25, s20, $0xb8;
	[tilespmem:$0x8160] =	vst v63  }
0x53: {  	s25 =	smov.u32 s24  }
0x54: {  	p0 =	sne.s32 s24, $0x9B00;
	s24 =	sadd.s32 $0x280, s24;
	_ =	swait.ge [sflag:s22], $0x500  }
0x55: {  	s25 =	sshra.s32 s25, $0x2;
	[sflag:s22] =	ssyncset.done $0x0  }
0x56: {  	s26 =	sadd.s32 $0x2800, s25;
	[sflag:s22] =	ssyncadd.s32 $0xFFFFFB00  }
0x57: {  	[spmem:s2] =	stream.indirect.scatter.add.f32 [tilespmem:s17], [sflag:$0x3], $0x10, s26, s20, $0xb8;
	[tilespmem:$0x8160] =	vst v63  }
0x58: {  	_ =	swait.ge [sflag:s18], $0x500  }
0x59: {  	[sflag:s18] =	ssyncset.done $0x0  }
0x5a: {  	s26 =	sadd.s32 $0xA0, s25;
	[sflag:s18] =	ssyncadd.s32 $0xFFFFFB00  }
0x5b: {  	[tilespmem:s17], [sflag:$0x1] =	stream.indirect.gather [hbm4b:s4+s20], $0x10, s26, s20, $0xb8;
	[tilespmem:$0x8160] =	vst v63  }
0x5c: {  	_ =	swait.ge [sflag:s23], $0x500  }
0x5d: {  	[sflag:s23] =	ssyncset.done $0x0  }
.Ltmp1:
0x5e: {  	s26 =	sadd.s32 $0x2850, s25;
	[sflag:s23] =	ssyncadd.s32 $0xFFFFFB00;
	(pc) =	sbr.rel @p0 .LBB2_4-.Ltmp1, $4  }
0x5f: {  	[spmem:s2] =	stream.indirect.scatter.add.f32 [tilespmem:s21], [sflag:$0x3], $0x10, s26, s20, $0xb8;
	[tilespmem:$0x8160] =	vst v63  }
0x60: {  	_ =	swait.ge [sflag:s18], $0x500  }
0x61: {  	[sflag:s18] =	ssyncset.done $0x0  }
0x62: {  	s25 =	sadd.s32 $0xF0, s25;
	[sflag:s18] =	ssyncadd.s32 $0xFFFFFB00  }
0x63: {  	[tilespmem:s21], [sflag:$0x2] =	stream.indirect.gather [hbm4b:s4+s20], $0x10, s25, s20, $0xb8;
	[tilespmem:$0x8160] =	vst v63  }
0x64: {  	_ =	swait.ge [sflag:s22], $0x500  }
0x65: {  	[sflag:s22] =	ssyncset.done $0x0  }
0x66: {  	[sflag:s22] =	ssyncadd.s32 $0xFFFFFB00  }
0x67: {  	_ =	swait.ge [sflag:s23], $0x500  }
0x68: {  	s24 =	sshll.u32 s0, $0x6;
	s3 =	sadd.s32 $0x1, s3;
	[sflag:s23] =	ssyncset.done $0x0  }
0x69: {  	s31 =	sshrl.u32 s5, $0x3;
	p0 =	sne.s32 s3, s16;
	[sflag:s23] =	ssyncadd.s32 $0xFFFFFB00  }
.Ltmp2:
0x6a: {  	s24 =	sor.u32 $0x1C03, s24;
	[bflag:$0x0] =	sbarrier.arrive $0xFFFF;
	(pc) =	sbr.rel @p0 .LBB2_1-.Ltmp2, $4  }
0x6b: {  	[hbm:s15], [sflag:s24] =	dma.local [spmem:s31], $0x500  }
0x6c: {  	_ =	swait.ge [sflag:s18], $0x500  }
0x6d: {  	[sflag:s18] =	ssyncset.done $0x0  }
0x6e: {  	[sflag:s18] =	ssyncadd.s32 $0xFFFFFB00  }
0x6f: {  	_ =	sfence.sel $0x180000  }
0x70: {  	[bflag:$0x0] =	sbarrier.arrive $0xFFFF  }
0x71: {  	p0 =	sne.s32 s0, $0x0;
	_ =	strace $0x9000004A  }
0x72: {  	s0 =	sadd.s32 @!p0 $0x100000, s1;
	[bflag:$0x2] =	sbarrier.arrive $0xFFFF  }
0x73: {  	[sflag:s0] =	ssyncadd.tile.s32 @!p0 $0x1;
	_ =	shalt  }
.Lfunc_end2:
_tile_overlayer_lowered:
.L_overlay_start_2:
0x74: {  	(tag) =	ssettag $0x2  }
0x75: {  	s0 =	rddreg [dreg:$0x0];
	s2 =	stileid.u32  }
0x76: {  	s1 =	rddreg [dreg:$0x1];
	p0 =	sne.s32 s2, $0x0  }
0x77: {  	s3 =	rddreg [dreg:$0x2];
	[bflag:$0x3] =	sbarrier.arrive $0xFFFF;
	s2 =	simm.s32 @!p0 $0x1C03  }
0x78: {  	[timem:s3], [sflag:s2] =	dma.local @!p0 [hbm:s0], s1  }
0x79: {  	s0 =	simm.s32 @!p0 $0x3  }
0x7a: {  	_ =	swait.ge @!p0 [sflag:s0], s1  }
0x7b: {  	s1 =	ssub.s32 @!p0 $0x0, s1;
	[sflag:s0] =	ssyncset.done @!p0 $0x0  }
0x7c: {  	[sflag:s0] =	ssyncadd.s32 @!p0 s1  }
0x7d: {  	[bflag:$0x3] =	sbarrier.arrive $0xFFFF  }
0x7e: {  	_ =	shalt  }

</sc_bundles>
